<compile_context>
chip_gen: v7x
topology: tpu7x:2x2x1
jax: 0.10.2.dev20260603
libtpu: 0.0.44.dev20260713+nightly
codegen_flags: <defaults>
</compile_context>

<pallas_src>
import functools

import jax
import jax.numpy as jnp
from jax import lax
from jax.experimental import pallas as pl
from jax.experimental.pallas import tpu as pltpu
from jax.experimental.pallas import tpu_sc as plsc

_N = 16777216
_NSC = 8388608
_NTC = _N - _NSC
_NC = 2
_NS = 16
_NW = _NC * _NS
_PER_W = _NSC // _NW
_CHUNK = 16384
_NCHUNK = _PER_W // _CHUNK
_NBINS = 6
_L = 16
_UNROLL = 8
_EDGES = (-2.0, -1.0, 0.0, 1.0, 2.0)

_TC_COLS = 128
_TC_ROWS = 4096
_TC_BLK = _TC_ROWS * _TC_COLS
_TC_BLK0 = _NSC // _TC_BLK
_TC_STEPS = _NTC // _TC_BLK

_mesh = plsc.VectorSubcoreMesh(core_axis_name="c", subcore_axis_name="s")


@functools.partial(
    pl.kernel,
    mesh=_mesh,
    compiler_params=pltpu.CompilerParams(needs_layout_passes=False),
    out_type=jax.ShapeDtypeStruct((_NW * 256,), jnp.float32),
    scratch_types=[
        pltpu.VMEM((2 * _CHUNK,), jnp.float32),
        pltpu.VMEM((2 * _CHUNK,), jnp.float32),
        pltpu.VMEM((2 * _NBINS * _L,), jnp.float32),
        pltpu.VMEM((2 * _NBINS * _L,), jnp.float32),
        pltpu.SemaphoreType.DMA,
        pltpu.SemaphoreType.DMA,
    ],
)
def _sc_binned_partials(pred_hbm, targ_hbm, out_hbm,
                        pbuf, tbuf,
                        sacc, cacc,
                        sem0, sem1):
    wid = lax.axis_index("s") * _NC + lax.axis_index("c")
    zero16 = jnp.zeros((_L,), jnp.float32)
    for b in range(_NBINS):
        sacc[pl.ds(_L * b, _L)] = zero16
        cacc[pl.ds(_L * b, _L)] = zero16
    lane = lax.iota(jnp.int32, _L)
    lane6 = lane * _NBINS
    ones = jnp.ones((_L,), jnp.float32)
    base = wid * _PER_W

    def start(c, half, sem):
        off = base + c * _CHUNK
        dst = pl.ds(half * _CHUNK, _CHUNK)
        pltpu.async_copy(pred_hbm.at[pl.ds(off, _CHUNK)], pbuf.at[dst], sem)
        pltpu.async_copy(targ_hbm.at[pl.ds(off, _CHUNK)], tbuf.at[dst], sem)

    def wait(sem):
        dst = pl.ds(0, _CHUNK)
        pltpu.make_async_copy(pred_hbm.at[pl.ds(0, _CHUNK)], pbuf.at[dst], sem).wait()
        pltpu.make_async_copy(targ_hbm.at[pl.ds(0, _CHUNK)], tbuf.at[dst], sem).wait()

    start(0, 0, sem0)

    def outer(c, carry):
        half = c & 1

        @pl.when((half == 0) & (c + 1 < _NCHUNK))
        def _():
            start(c + 1, 1, sem1)

        @pl.when((half == 1) & (c + 1 < _NCHUNK))
        def _():
            start(c + 1, 0, sem0)

        @pl.when(half == 0)
        def _():
            wait(sem0)

        @pl.when(half == 1)
        def _():
            wait(sem1)

        hoff = half * _CHUNK

        @plsc.parallel_loop(0, _CHUNK // _L, 1, unroll=_UNROLL)
        def vbody(i):
            s = hoff + i * _L
            p = pbuf[pl.ds(s, _L)]
            t = tbuf[pl.ds(s, _L)]
            d = p - t
            u = jnp.abs(d)
            m = jnp.minimum(u, 1.0)
            elem = m * (u - 0.5 * m)
            tb3 = jnp.minimum(jnp.maximum(t + 3.0, 0.0), 5.5)
            bi = tb3.astype(jnp.int32)
            idx = bi * _L + lane
            plsc.addupdate_scatter(sacc, [idx], elem)
            plsc.addupdate_scatter(cacc, [idx], ones)

        return carry

    lax.fori_loop(0, _NCHUNK, outer, 0)

    obase = wid * 256
    pltpu.sync_copy(sacc.at[pl.ds(0, 96)], out_hbm.at[pl.ds(obase, 96)])
    pltpu.sync_copy(cacc.at[pl.ds(0, 96)], out_hbm.at[pl.ds(obase + 128, 96)])


def _tc_body(p_ref, t_ref, o_ref):
    @pl.when(pl.program_id(0) == 0)
    def _():
        for k in range(12):
            o_ref[k] = jnp.float32(0.0)

    zeros = jnp.zeros((8, 128), jnp.float32)
    ones = jnp.ones((8, 128), jnp.float32)

    def step(g, acc):
        ssum, scnt, stot = acc
        for j in range(4):
            r = (g * 4 + j) * 8
            p = p_ref[pl.ds(r, 8), :]
            t = t_ref[pl.ds(r, 8), :]
            d = p - t
            u = jnp.abs(d)
            m = jnp.minimum(u, 1.0)
            elem = m * (u - 0.5 * m)
            ssum = tuple(ssum[k] + jnp.where(t < e, elem, zeros)
                         for k, e in enumerate(_EDGES))
            scnt = tuple(scnt[k] + jnp.where(t < e, ones, zeros)
                         for k, e in enumerate(_EDGES))
            stot = stot + elem
        return (ssum, scnt, stot)

    init = ((zeros,) * 5, (zeros,) * 5, zeros)
    ssum, scnt, stot = lax.fori_loop(0, _TC_ROWS // 32, step, init)
    for k in range(5):
        o_ref[k] += jnp.sum(ssum[k])
        o_ref[6 + k] += jnp.sum(scnt[k])
    o_ref[5] += jnp.sum(stot)
    o_ref[11] += jnp.float32(_TC_BLK)


_tc_cumulative = pl.pallas_call(
    _tc_body,
    grid=(_TC_STEPS,),
    in_specs=[
        pl.BlockSpec((_TC_ROWS, _TC_COLS), lambda i: (_TC_BLK0 + i, 0)),
        pl.BlockSpec((_TC_ROWS, _TC_COLS), lambda i: (_TC_BLK0 + i, 0)),
    ],
    out_specs=pl.BlockSpec(memory_space=pltpu.SMEM),
    out_shape=jax.ShapeDtypeStruct((12,), jnp.float32),
)


def _combine_body(part_ref, cum_ref, o_ref):
    x = part_ref[...]
    total = jnp.float32(0.0)
    nbins = jnp.float32(0.0)
    prev_s = jnp.float32(0.0)
    prev_c = jnp.float32(0.0)
    for b in range(_NBINS):
        cur_s = cum_ref[b] if b < _NBINS - 1 else cum_ref[5]
        cur_c = cum_ref[6 + b] if b < _NBINS - 1 else cum_ref[11]
        sb = jnp.sum(x[:, 0, _L * b:_L * (b + 1)]) + (cur_s - prev_s)
        cb = jnp.sum(x[:, 1, _L * b:_L * (b + 1)]) + (cur_c - prev_c)
        prev_s, prev_c = cur_s, cur_c
        valid = cb > 0.0
        total = total + jnp.where(valid, sb / jnp.maximum(cb, 1.0), 0.0)
        nbins = nbins + valid.astype(jnp.float32)
    o_ref[0, 0] = total / nbins


def kernel(pred, target):
    parts = _sc_binned_partials(pred, target).reshape(_NW, 2, 128)
    p2 = pred.reshape(_N // _TC_COLS, _TC_COLS)
    t2 = target.reshape(_N // _TC_COLS, _TC_COLS)
    cums = _tc_cumulative(p2, t2)
    out = pl.pallas_call(
        _combine_body,
        in_specs=[
            pl.BlockSpec(memory_space=pltpu.VMEM),
            pl.BlockSpec(memory_space=pltpu.SMEM),
        ],
        out_shape=jax.ShapeDtypeStruct((1, 1), jnp.float32),
        out_specs=pl.BlockSpec(memory_space=pltpu.SMEM),
    )(parts, cums)
    return out[0, 0]

# --- scband reference (transcript-rebuilt; emitter-appended) ---
"""Pipeline reference for scband-weighted-and-masked-smooth-l1-6210522710291 (READ-ONLY COPY).

The authoritative reference and input builder live on the scoring server;
editing this copy changes nothing except your own understanding.
"""

import jax, jax.numpy as jnp
import numpy as np

BINS = [-2.0, -1.0, 0.0, 1.0, 2.0]
N = 16777216


def setup_inputs(seed: int = 0) -> dict:
    key = jax.random.key(seed)
    k1, k2 = jax.random.split(key)
    pred = jax.random.normal(k1, (N,), dtype=jnp.float32)
    target = jax.random.normal(k2, (N,), dtype=jnp.float32)
    return {"pred": pred, "target": target}


def _smooth_l1_elem(pred, target):
    # F.smooth_l1_loss with default beta=1.0, elementwise (no reduction)
    diff = pred - target
    abs_diff = jnp.abs(diff)
    return jnp.where(abs_diff < 1.0, 0.5 * diff * diff, abs_diff - 0.5)


def reference(pred, target):
    nan_mask = ~jnp.isnan(target)
    elem = _smooth_l1_elem(pred, target)

    # build the same histogram-bin masks as the torch module
    masks = []
    masks.append(target < BINS[0])
    for i in range(len(BINS) - 1):
        masks.append((target >= BINS[i]) & (target < BINS[i + 1]))
    masks.append(target >= BINS[-1])

    total = jnp.float32(0.0)
    cnt = jnp.float32(0.0)
    for m in masks:
        mask = nan_mask & m
        count = jnp.sum(mask)
        # mean of smooth-l1 over the masked elements (== F.smooth_l1_loss(pred[mask], target[mask]))
        bin_loss = jnp.sum(jnp.where(mask, elem, 0.0)) / jnp.maximum(count, 1).astype(jnp.float32)
        valid = (count > 0)
        # bins with zero elements contribute NaN in torch and are dropped; emulate by skipping
        total = total + jnp.where(valid, bin_loss, 0.0)
        cnt = cnt + valid.astype(jnp.float32)
    return total / cnt

if __name__ == "__main__":
    import jax
    _d = setup_inputs()
    print(jax.jit(kernel)(*tuple(_d.values())))

</pallas_src>

<mosaic_0001>
#map = affine_map<(d0, d1) -> (0)>
module attributes {stable_mosaic.version = 14 : i64} {
  func.func @_sc_binned_partials(%arg0: i32, %arg1: i32, %arg2: memref<16777216xf32, #tpu.memory_space<hbm>>, %arg3: memref<16777216xf32, #tpu.memory_space<hbm>>, %arg4: memref<8192xf32, #tpu.memory_space<hbm>>, %arg5: memref<32768xf32, #tpu.memory_space<vmem>>, %arg6: memref<32768xf32, #tpu.memory_space<vmem>>, %arg7: memref<192xf32, #tpu.memory_space<vmem>>, %arg8: memref<192xf32, #tpu.memory_space<vmem>>, %arg9: memref<!tpu.dma_semaphore, #tpu.memory_space<semaphore_mem>>, %arg10: memref<!tpu.dma_semaphore, #tpu.memory_space<semaphore_mem>>) attributes {dimension_semantics = [#tpu.dimension_semantics<core_parallel>, #tpu.dimension_semantics<subcore_parallel>], iteration_bounds = array<i64: 2, 16>, scalar_prefetch = 0 : i64, scratch_operands = 6 : i64, tpu.core_type = #tpu.core_type<sc_vector_subcore>, window_params = [{transform_indices = #map}, {transform_indices = #map}, {transform_indices = #map}]} {
    %mul3A = arith.constant 2 : i32
    %mul3A_0 = arith.muli %arg1, %mul3A : i32
    %add3A = arith.addi %mul3A_0, %arg0 : i32
    %broadcast_in_dim3A = arith.constant 0.000000e+00 : f32
    %broadcast_in_dim3A_1 = vector.broadcast %broadcast_in_dim3A : f32 to vector<16xf32>
    %swap3A = arith.constant 0 : index
    %swap3A_2 = tpu.vector_load %arg7[%swap3A] {strides = array<i32>} : memref<192xf32, #tpu.memory_space<vmem>>, vector<16xf32>,
    tpu.vector_store %arg7[%swap3A], %broadcast_in_dim3A_1 {strides = array<i32>} : memref<192xf32, #tpu.memory_space<vmem>>, vector<16xf32>,
    %swap3A_3 = arith.constant 0 : index
    %swap3A_4 = tpu.vector_load %arg8[%swap3A_3] {strides = array<i32>} : memref<192xf32, #tpu.memory_space<vmem>>, vector<16xf32>,
    tpu.vector_store %arg8[%swap3A_3], %broadcast_in_dim3A_1 {strides = array<i32>} : memref<192xf32, #tpu.memory_space<vmem>>, vector<16xf32>,
    %swap3A_5 = arith.constant 16 : index
    %swap3A_6 = tpu.vector_load %arg7[%swap3A_5] {strides = array<i32>} : memref<192xf32, #tpu.memory_space<vmem>>, vector<16xf32>,
    tpu.vector_store %arg7[%swap3A_5], %broadcast_in_dim3A_1 {strides = array<i32>} : memref<192xf32, #tpu.memory_space<vmem>>, vector<16xf32>,
    %swap3A_7 = arith.constant 16 : index
    %swap3A_8 = tpu.vector_load %arg8[%swap3A_7] {strides = array<i32>} : memref<192xf32, #tpu.memory_space<vmem>>, vector<16xf32>,
    tpu.vector_store %arg8[%swap3A_7], %broadcast_in_dim3A_1 {strides = array<i32>} : memref<192xf32, #tpu.memory_space<vmem>>, vector<16xf32>,
    %swap3A_9 = arith.constant 32 : index
    %swap3A_10 = tpu.vector_load %arg7[%swap3A_9] {strides = array<i32>} : memref<192xf32, #tpu.memory_space<vmem>>, vector<16xf32>,
    tpu.vector_store %arg7[%swap3A_9], %broadcast_in_dim3A_1 {strides = array<i32>} : memref<192xf32, #tpu.memory_space<vmem>>, vector<16xf32>,
    %swap3A_11 = arith.constant 32 : index
    %swap3A_12 = tpu.vector_load %arg8[%swap3A_11] {strides = array<i32>} : memref<192xf32, #tpu.memory_space<vmem>>, vector<16xf32>,
    tpu.vector_store %arg8[%swap3A_11], %broadcast_in_dim3A_1 {strides = array<i32>} : memref<192xf32, #tpu.memory_space<vmem>>, vector<16xf32>,
    %swap3A_13 = arith.constant 48 : index
    %swap3A_14 = tpu.vector_load %arg7[%swap3A_13] {strides = array<i32>} : memref<192xf32, #tpu.memory_space<vmem>>, vector<16xf32>,
    tpu.vector_store %arg7[%swap3A_13], %broadcast_in_dim3A_1 {strides = array<i32>} : memref<192xf32, #tpu.memory_space<vmem>>, vector<16xf32>,
    %swap3A_15 = arith.constant 48 : index
    %swap3A_16 = tpu.vector_load %arg8[%swap3A_15] {strides = array<i32>} : memref<192xf32, #tpu.memory_space<vmem>>, vector<16xf32>,
    tpu.vector_store %arg8[%swap3A_15], %broadcast_in_dim3A_1 {strides = array<i32>} : memref<192xf32, #tpu.memory_space<vmem>>, vector<16xf32>,
    %swap3A_17 = arith.constant 64 : index
    %swap3A_18 = tpu.vector_load %arg7[%swap3A_17] {strides = array<i32>} : memref<192xf32, #tpu.memory_space<vmem>>, vector<16xf32>,
    tpu.vector_store %arg7[%swap3A_17], %broadcast_in_dim3A_1 {strides = array<i32>} : memref<192xf32, #tpu.memory_space<vmem>>, vector<16xf32>,
    %swap3A_19 = arith.constant 64 : index
    %swap3A_20 = tpu.vector_load %arg8[%swap3A_19] {strides = array<i32>} : memref<192xf32, #tpu.memory_space<vmem>>, vector<16xf32>,
    tpu.vector_store %arg8[%swap3A_19], %broadcast_in_dim3A_1 {strides = array<i32>} : memref<192xf32, #tpu.memory_space<vmem>>, vector<16xf32>,
    %swap3A_21 = arith.constant 80 : index
    %swap3A_22 = tpu.vector_load %arg7[%swap3A_21] {strides = array<i32>} : memref<192xf32, #tpu.memory_space<vmem>>, vector<16xf32>,
    tpu.vector_store %arg7[%swap3A_21], %broadcast_in_dim3A_1 {strides = array<i32>} : memref<192xf32, #tpu.memory_space<vmem>>, vector<16xf32>,
    %swap3A_23 = arith.constant 80 : index
    %swap3A_24 = tpu.vector_load %arg8[%swap3A_23] {strides = array<i32>} : memref<192xf32, #tpu.memory_space<vmem>>, vector<16xf32>,
    tpu.vector_store %arg8[%swap3A_23], %broadcast_in_dim3A_1 {strides = array<i32>} : memref<192xf32, #tpu.memory_space<vmem>>, vector<16xf32>,
    %iota3A = tpu.iota {dimensions = array<i32: 0>} : vector<16xi32>
    %mul3A_25 = arith.constant 6 : i32
    %mul3A_26 = vector.broadcast %mul3A_25 : i32 to vector<16xi32>
    %mul3A_27 = arith.muli %iota3A, %mul3A_26 : vector<16xi32>
    %broadcast_in_dim3A_28 = arith.constant 1.000000e+00 : f32
    %broadcast_in_dim3A_29 = vector.broadcast %broadcast_in_dim3A_28 : f32 to vector<16xf32>
    %mul3A_30 = arith.constant 262144 : i32
    %mul3A_31 = arith.muli %add3A, %mul3A_30 : i32
    %add3A_32 = arith.constant 0 : i32
    %add3A_33 = arith.addi %mul3A_31, %add3A_32 : i32
    %dma_start3A = arith.constant 0 : i32
    %dma_start3A_34 = tpu.memref_slice %arg5[%dma_start3A] : memref<32768xf32, #tpu.memory_space<vmem>> -> memref<16384xf32, #tpu.memory_space<vmem>>
    %dma_start3A_35 = tpu.memref_slice %arg2[%add3A_33] : memref<16777216xf32, #tpu.memory_space<hbm>> -> memref<16384xf32, #tpu.memory_space<hbm>>
    %dma_start3A_36 = arith.constant 0 : i32
    %dma_start3A_37 = tpu.memref_slice %arg5[%dma_start3A_36] : memref<32768xf32, #tpu.memory_space<vmem>> -> memref<16384xf32, #tpu.memory_space<vmem>>
    %dma_start3A_38 = tpu.memref_slice %arg2[%add3A_33] : memref<16777216xf32, #tpu.memory_space<hbm>> -> memref<16384xf32, #tpu.memory_space<hbm>>
    tpu.enqueue_dma source(%dma_start3A_38 : memref<16384xf32, #tpu.memory_space<hbm>>) target(%dma_start3A_37 : memref<16384xf32, #tpu.memory_space<vmem>>) target_semaphore(%arg9 : memref<!tpu.dma_semaphore, #tpu.memory_space<semaphore_mem>>)
    %dma_start3A_39 = arith.constant 0 : i32
    %dma_start3A_40 = tpu.memref_slice %arg6[%dma_start3A_39] : memref<32768xf32, #tpu.memory_space<vmem>> -> memref<16384xf32, #tpu.memory_space<vmem>>
    %dma_start3A_41 = tpu.memref_slice %arg3[%add3A_33] : memref<16777216xf32, #tpu.memory_space<hbm>> -> memref<16384xf32, #tpu.memory_space<hbm>>
    %dma_start3A_42 = arith.constant 0 : i32
    %dma_start3A_43 = tpu.memref_slice %arg6[%dma_start3A_42] : memref<32768xf32, #tpu.memory_space<vmem>> -> memref<16384xf32, #tpu.memory_space<vmem>>
    %dma_start3A_44 = tpu.memref_slice %arg3[%add3A_33] : memref<16777216xf32, #tpu.memory_space<hbm>> -> memref<16384xf32, #tpu.memory_space<hbm>>
    tpu.enqueue_dma source(%dma_start3A_44 : memref<16384xf32, #tpu.memory_space<hbm>>) target(%dma_start3A_43 : memref<16384xf32, #tpu.memory_space<vmem>>) target_semaphore(%arg9 : memref<!tpu.dma_semaphore, #tpu.memory_space<semaphore_mem>>)
    %scan3A = arith.constant 0 : i32
    %scan3A_45 = arith.constant 0 : i32
    %scan3A_46 = arith.constant 16 : i32
    %scan3A_47 = arith.addi %scan3A_45, %scan3A_46 : i32
    %scan3A_48 = arith.constant 1 : i32
    scf.for %scan3A_54 = %scan3A_45 to %scan3A_47 step %scan3A_48  : i32 {
      %and3A = arith.constant 1 : i32
      %and3A_55 = arith.andi %scan3A_54, %and3A : i32
      %eq3A = arith.constant 0 : i32
      %eq3A_56 = arith.cmpi eq, %and3A_55, %eq3A : i32
      %add3A_57 = arith.constant 1 : i32
      %add3A_58 = arith.addi %scan3A_54, %add3A_57 : i32
      %lt3A = arith.constant 16 : i32
      %lt3A_59 = arith.cmpi slt, %add3A_58, %lt3A : i32
      %and3A_60 = arith.andi %eq3A_56, %lt3A_59 : i1
      %convert_element_type3A = arith.extui %and3A_60 : i1 to i32
      %cond3A = arith.constant 0 : i32
      %cond3A_61 = arith.cmpi ne, %convert_element_type3A, %cond3A : i32
      scf.if %cond3A_61 {
        %add3A_86 = arith.constant 1 : i32
        %add3A_87 = arith.addi %scan3A_54, %add3A_86 : i32
        %mul3A_88 = arith.constant 16384 : i32
        %mul3A_89 = arith.muli %add3A_87, %mul3A_88 : i32
        %add3A_90 = arith.addi %mul3A_31, %mul3A_89 : i32
        %dma_start3A_91 = arith.constant 16384 : i32
        %dma_start3A_92 = tpu.memref_slice %arg5[%dma_start3A_91] : memref<32768xf32, #tpu.memory_space<vmem>> -> memref<16384xf32, #tpu.memory_space<vmem>>
        %dma_start3A_93 = tpu.memref_slice %arg2[%add3A_90] : memref<16777216xf32, #tpu.memory_space<hbm>> -> memref<16384xf32, #tpu.memory_space<hbm>>
        %dma_start3A_94 = arith.constant 16384 : i32
        %dma_start3A_95 = tpu.memref_slice %arg5[%dma_start3A_94] : memref<32768xf32, #tpu.memory_space<vmem>> -> memref<16384xf32, #tpu.memory_space<vmem>>
        %dma_start3A_96 = tpu.memref_slice %arg2[%add3A_90] : memref<16777216xf32, #tpu.memory_space<hbm>> -> memref<16384xf32, #tpu.memory_space<hbm>>
        tpu.enqueue_dma source(%dma_start3A_96 : memref<16384xf32, #tpu.memory_space<hbm>>) target(%dma_start3A_95 : memref<16384xf32, #tpu.memory_space<vmem>>) target_semaphore(%arg10 : memref<!tpu.dma_semaphore, #tpu.memory_space<semaphore_mem>>)
        %dma_start3A_97 = arith.constant 16384 : i32
        %dma_start3A_98 = tpu.memref_slice %arg6[%dma_start3A_97] : memref<32768xf32, #tpu.memory_space<vmem>> -> memref<16384xf32, #tpu.memory_space<vmem>>
        %dma_start3A_99 = tpu.memref_slice %arg3[%add3A_90] : memref<16777216xf32, #tpu.memory_space<hbm>> -> memref<16384xf32, #tpu.memory_space<hbm>>
        %dma_start3A_100 = arith.constant 16384 : i32
        %dma_start3A_101 = tpu.memref_slice %arg6[%dma_start3A_100] : memref<32768xf32, #tpu.memory_space<vmem>> -> memref<16384xf32, #tpu.memory_space<vmem>>
        %dma_start3A_102 = tpu.memref_slice %arg3[%add3A_90] : memref<16777216xf32, #tpu.memory_space<hbm>> -> memref<16384xf32, #tpu.memory_space<hbm>>
        tpu.enqueue_dma source(%dma_start3A_102 : memref<16384xf32, #tpu.memory_space<hbm>>) target(%dma_start3A_101 : memref<16384xf32, #tpu.memory_space<vmem>>) target_semaphore(%arg10 : memref<!tpu.dma_semaphore, #tpu.memory_space<semaphore_mem>>)
      } else {
      }
      %eq3A_62 = arith.constant 1 : i32
      %eq3A_63 = arith.cmpi eq, %and3A_55, %eq3A_62 : i32
      %add3A_64 = arith.constant 1 : i32
      %add3A_65 = arith.addi %scan3A_54, %add3A_64 : i32
      %lt3A_66 = arith.constant 16 : i32
      %lt3A_67 = arith.cmpi slt, %add3A_65, %lt3A_66 : i32
      %and3A_68 = arith.andi %eq3A_63, %lt3A_67 : i1
      %convert_element_type3A_69 = arith.extui %and3A_68 : i1 to i32
      %cond3A_70 = arith.constant 0 : i32
      %cond3A_71 = arith.cmpi ne, %convert_element_type3A_69, %cond3A_70 : i32
      scf.if %cond3A_71 {
        %add3A_86 = arith.constant 1 : i32
        %add3A_87 = arith.addi %scan3A_54, %add3A_86 : i32
        %mul3A_88 = arith.constant 16384 : i32
        %mul3A_89 = arith.muli %add3A_87, %mul3A_88 : i32
        %add3A_90 = arith.addi %mul3A_31, %mul3A_89 : i32
        %dma_start3A_91 = arith.constant 0 : i32
        %dma_start3A_92 = tpu.memref_slice %arg5[%dma_start3A_91] : memref<32768xf32, #tpu.memory_space<vmem>> -> memref<16384xf32, #tpu.memory_space<vmem>>
        %dma_start3A_93 = tpu.memref_slice %arg2[%add3A_90] : memref<16777216xf32, #tpu.memory_space<hbm>> -> memref<16384xf32, #tpu.memory_space<hbm>>
        %dma_start3A_94 = arith.constant 0 : i32
        %dma_start3A_95 = tpu.memref_slice %arg5[%dma_start3A_94] : memref<32768xf32, #tpu.memory_space<vmem>> -> memref<16384xf32, #tpu.memory_space<vmem>>
        %dma_start3A_96 = tpu.memref_slice %arg2[%add3A_90] : memref<16777216xf32, #tpu.memory_space<hbm>> -> memref<16384xf32, #tpu.memory_space<hbm>>
        tpu.enqueue_dma source(%dma_start3A_96 : memref<16384xf32, #tpu.memory_space<hbm>>) target(%dma_start3A_95 : memref<16384xf32, #tpu.memory_space<vmem>>) target_semaphore(%arg9 : memref<!tpu.dma_semaphore, #tpu.memory_space<semaphore_mem>>)
        %dma_start3A_97 = arith.constant 0 : i32
        %dma_start3A_98 = tpu.memref_slice %arg6[%dma_start3A_97] : memref<32768xf32, #tpu.memory_space<vmem>> -> memref<16384xf32, #tpu.memory_space<vmem>>
        %dma_start3A_99 = tpu.memref_slice %arg3[%add3A_90] : memref<16777216xf32, #tpu.memory_space<hbm>> -> memref<16384xf32, #tpu.memory_space<hbm>>
        %dma_start3A_100 = arith.constant 0 : i32
        %dma_start3A_101 = tpu.memref_slice %arg6[%dma_start3A_100] : memref<32768xf32, #tpu.memory_space<vmem>> -> memref<16384xf32, #tpu.memory_space<vmem>>
        %dma_start3A_102 = tpu.memref_slice %arg3[%add3A_90] : memref<16777216xf32, #tpu.memory_space<hbm>> -> memref<16384xf32, #tpu.memory_space<hbm>>
        tpu.enqueue_dma source(%dma_start3A_102 : memref<16384xf32, #tpu.memory_space<hbm>>) target(%dma_start3A_101 : memref<16384xf32, #tpu.memory_space<vmem>>) target_semaphore(%arg9 : memref<!tpu.dma_semaphore, #tpu.memory_space<semaphore_mem>>)
      } else {
      }
      %eq3A_72 = arith.constant 0 : i32
      %eq3A_73 = arith.cmpi eq, %and3A_55, %eq3A_72 : i32
      %convert_element_type3A_74 = arith.extui %eq3A_73 : i1 to i32
      %cond3A_75 = arith.constant 0 : i32
      %cond3A_76 = arith.cmpi ne, %convert_element_type3A_74, %cond3A_75 : i32
      scf.if %cond3A_76 {
        %dma_wait3A = arith.constant 0 : i32
        %dma_wait3A_86 = tpu.memref_slice %arg5[%dma_wait3A] : memref<32768xf32, #tpu.memory_space<vmem>> -> memref<16384xf32, #tpu.memory_space<vmem>>
        %dma_wait3A_87 = arith.constant 0 : i32
        %dma_wait3A_88 = tpu.memref_slice %arg2[%dma_wait3A_87] : memref<16777216xf32, #tpu.memory_space<hbm>> -> memref<16384xf32, #tpu.memory_space<hbm>>
        %dma_wait3A_89 = arith.constant 0 : i32
        %dma_wait3A_90 = tpu.memref_slice %arg5[%dma_wait3A_89] : memref<32768xf32, #tpu.memory_space<vmem>> -> memref<16384xf32, #tpu.memory_space<vmem>>
        %dma_wait3A_91 = arith.constant 0 : i32
        %dma_wait3A_92 = tpu.memref_slice %arg2[%dma_wait3A_91] : memref<16777216xf32, #tpu.memory_space<hbm>> -> memref<16384xf32, #tpu.memory_space<hbm>>
        tpu.wait_dma2 semaphore(%arg9 : memref<!tpu.dma_semaphore, #tpu.memory_space<semaphore_mem>>) src(%dma_wait3A_92 : memref<16384xf32, #tpu.memory_space<hbm>>) dst(%dma_wait3A_90 : memref<16384xf32, #tpu.memory_space<vmem>>)
        %dma_wait3A_93 = arith.constant 0 : i32
        %dma_wait3A_94 = tpu.memref_slice %arg6[%dma_wait3A_93] : memref<32768xf32, #tpu.memory_space<vmem>> -> memref<16384xf32, #tpu.memory_space<vmem>>
        %dma_wait3A_95 = arith.constant 0 : i32
        %dma_wait3A_96 = tpu.memref_slice %arg3[%dma_wait3A_95] : memref<16777216xf32, #tpu.memory_space<hbm>> -> memref<16384xf32, #tpu.memory_space<hbm>>
        %dma_wait3A_97 = arith.constant 0 : i32
        %dma_wait3A_98 = tpu.memref_slice %arg6[%dma_wait3A_97] : memref<32768xf32, #tpu.memory_space<vmem>> -> memref<16384xf32, #tpu.memory_space<vmem>>
        %dma_wait3A_99 = arith.constant 0 : i32
        %dma_wait3A_100 = tpu.memref_slice %arg3[%dma_wait3A_99] : memref<16777216xf32, #tpu.memory_space<hbm>> -> memref<16384xf32, #tpu.memory_space<hbm>>
        tpu.wait_dma2 semaphore(%arg9 : memref<!tpu.dma_semaphore, #tpu.memory_space<semaphore_mem>>) src(%dma_wait3A_100 : memref<16384xf32, #tpu.memory_space<hbm>>) dst(%dma_wait3A_98 : memref<16384xf32, #tpu.memory_space<vmem>>)
      } else {
      }
      %eq3A_77 = arith.constant 1 : i32
      %eq3A_78 = arith.cmpi eq, %and3A_55, %eq3A_77 : i32
      %convert_element_type3A_79 = arith.extui %eq3A_78 : i1 to i32
      %cond3A_80 = arith.constant 0 : i32
      %cond3A_81 = arith.cmpi ne, %convert_element_type3A_79, %cond3A_80 : i32
      scf.if %cond3A_81 {
        %dma_wait3A = arith.constant 0 : i32
        %dma_wait3A_86 = tpu.memref_slice %arg5[%dma_wait3A] : memref<32768xf32, #tpu.memory_space<vmem>> -> memref<16384xf32, #tpu.memory_space<vmem>>
        %dma_wait3A_87 = arith.constant 0 : i32
        %dma_wait3A_88 = tpu.memref_slice %arg2[%dma_wait3A_87] : memref<16777216xf32, #tpu.memory_space<hbm>> -> memref<16384xf32, #tpu.memory_space<hbm>>
        %dma_wait3A_89 = arith.constant 0 : i32
        %dma_wait3A_90 = tpu.memref_slice %arg5[%dma_wait3A_89] : memref<32768xf32, #tpu.memory_space<vmem>> -> memref<16384xf32, #tpu.memory_space<vmem>>
        %dma_wait3A_91 = arith.constant 0 : i32
        %dma_wait3A_92 = tpu.memref_slice %arg2[%dma_wait3A_91] : memref<16777216xf32, #tpu.memory_space<hbm>> -> memref<16384xf32, #tpu.memory_space<hbm>>
        tpu.wait_dma2 semaphore(%arg10 : memref<!tpu.dma_semaphore, #tpu.memory_space<semaphore_mem>>) src(%dma_wait3A_92 : memref<16384xf32, #tpu.memory_space<hbm>>) dst(%dma_wait3A_90 : memref<16384xf32, #tpu.memory_space<vmem>>)
        %dma_wait3A_93 = arith.constant 0 : i32
        %dma_wait3A_94 = tpu.memref_slice %arg6[%dma_wait3A_93] : memref<32768xf32, #tpu.memory_space<vmem>> -> memref<16384xf32, #tpu.memory_space<vmem>>
        %dma_wait3A_95 = arith.constant 0 : i32
        %dma_wait3A_96 = tpu.memref_slice %arg3[%dma_wait3A_95] : memref<16777216xf32, #tpu.memory_space<hbm>> -> memref<16384xf32, #tpu.memory_space<hbm>>
        %dma_wait3A_97 = arith.constant 0 : i32
        %dma_wait3A_98 = tpu.memref_slice %arg6[%dma_wait3A_97] : memref<32768xf32, #tpu.memory_space<vmem>> -> memref<16384xf32, #tpu.memory_space<vmem>>
        %dma_wait3A_99 = arith.constant 0 : i32
        %dma_wait3A_100 = tpu.memref_slice %arg3[%dma_wait3A_99] : memref<16777216xf32, #tpu.memory_space<hbm>> -> memref<16384xf32, #tpu.memory_space<hbm>>
        tpu.wait_dma2 semaphore(%arg10 : memref<!tpu.dma_semaphore, #tpu.memory_space<semaphore_mem>>) src(%dma_wait3A_100 : memref<16384xf32, #tpu.memory_space<hbm>>) dst(%dma_wait3A_98 : memref<16384xf32, #tpu.memory_space<vmem>>)
      } else {
      }
      %mul3A_82 = arith.constant 16384 : i32
      %mul3A_83 = arith.muli %and3A_55, %mul3A_82 : i32
      %parallel_loop3A = arith.constant 0 : i32
      %parallel_loop3A_84 = arith.constant 1024 : i32
      %parallel_loop3A_85 = arith.constant 1 : i32
      scf.for %parallel_loop3A_86 = %parallel_loop3A to %parallel_loop3A_84 step %parallel_loop3A_85  : i32 {
        %parallel_loop3A_87 = arith.constant 16 : i32
        %parallel_loop3A_88 = arith.muli %parallel_loop3A_86, %parallel_loop3A_87 : i32
        %parallel_loop3A_89 = arith.addi %mul3A_83, %parallel_loop3A_88 : i32
        %parallel_loop3A_90 = arith.index_cast %parallel_loop3A_89 : i32 to index
        %parallel_loop3A_91 = tpu.vector_load %arg5[%parallel_loop3A_90] {strides = array<i32>} : memref<32768xf32, #tpu.memory_space<vmem>>, vector<16xf32>,
        %parallel_loop3A_92 = arith.index_cast %parallel_loop3A_89 : i32 to index
        %parallel_loop3A_93 = tpu.vector_load %arg6[%parallel_loop3A_92] {strides = array<i32>} : memref<32768xf32, #tpu.memory_space<vmem>>, vector<16xf32>,
        %parallel_loop3A_94 = arith.subf %parallel_loop3A_91, %parallel_loop3A_93 : vector<16xf32>
        %parallel_loop3A_95 = math.absf %parallel_loop3A_94 : vector<16xf32>
        %parallel_loop3A_96 = arith.constant 1.000000e+00 : f32
        %parallel_loop3A_97 = vector.broadcast %parallel_loop3A_96 : f32 to vector<16xf32>
        %parallel_loop3A_98 = arith.minimumf %parallel_loop3A_95, %parallel_loop3A_97 : vector<16xf32>
        %parallel_loop3A_99 = arith.constant 5.000000e-01 : f32
        %parallel_loop3A_100 = vector.broadcast %parallel_loop3A_99 : f32 to vector<16xf32>
        %parallel_loop3A_101 = arith.mulf %parallel_loop3A_100, %parallel_loop3A_98 : vector<16xf32>
        %parallel_loop3A_102 = arith.subf %parallel_loop3A_95, %parallel_loop3A_101 : vector<16xf32>
        %parallel_loop3A_103 = arith.mulf %parallel_loop3A_98, %parallel_loop3A_102 : vector<16xf32>
        %parallel_loop3A_104 = arith.constant 3.000000e+00 : f32
        %parallel_loop3A_105 = vector.broadcast %parallel_loop3A_104 : f32 to vector<16xf32>
        %parallel_loop3A_106 = arith.addf %parallel_loop3A_93, %parallel_loop3A_105 : vector<16xf32>
        %parallel_loop3A_107 = arith.constant 0.000000e+00 : f32
        %parallel_loop3A_108 = vector.broadcast %parallel_loop3A_107 : f32 to vector<16xf32>
        %parallel_loop3A_109 = arith.maximumf %parallel_loop3A_106, %parallel_loop3A_108 : vector<16xf32>
        %parallel_loop3A_110 = arith.constant 5.500000e+00 : f32
        %parallel_loop3A_111 = vector.broadcast %parallel_loop3A_110 : f32 to vector<16xf32>
        %parallel_loop3A_112 = arith.minimumf %parallel_loop3A_109, %parallel_loop3A_111 : vector<16xf32>
        %parallel_loop3A_113 = arith.fptosi %parallel_loop3A_112 : vector<16xf32> to vector<16xi32>
        %parallel_loop3A_114 = arith.constant 16 : i32
        %parallel_loop3A_115 = vector.broadcast %parallel_loop3A_114 : i32 to vector<16xi32>
        %parallel_loop3A_116 = arith.muli %parallel_loop3A_113, %parallel_loop3A_115 : vector<16xi32>
        %parallel_loop3A_117 = arith.addi %parallel_loop3A_116, %iota3A : vector<16xi32>
        tpu.vector_store_idx %arg7[%parallel_loop3A_117], %parallel_loop3A_103 {add = true} : memref<192xf32, #tpu.memory_space<vmem>>[vector<16xi32>], vector<16xf32>,
        tpu.vector_store_idx %arg8[%parallel_loop3A_117], %broadcast_in_dim3A_29 {add = true} : memref<192xf32, #tpu.memory_space<vmem>>[vector<16xi32>], vector<16xf32>,
      } {sc.loop_unroll_factor = 8 : i64, sc.parallel_access}
    }
    %scan3A_49 = arith.constant 16 : i32
    %mul3A_50 = arith.constant 256 : i32
    %mul3A_51 = arith.muli %add3A, %mul3A_50 : i32
    "tpu.region"() ({
      %run_scoped3A = tpu.sem_alloc : memref<!tpu.dma_semaphore, #tpu.memory_space<semaphore_mem>>
      %dma_start3A_54 = arith.constant 0 : i32
      %dma_start3A_55 = tpu.memref_slice %arg7[%dma_start3A_54] : memref<192xf32, #tpu.memory_space<vmem>> -> memref<96xf32, #tpu.memory_space<vmem>>
      %dma_start3A_56 = tpu.memref_slice %arg4[%mul3A_51] : memref<8192xf32, #tpu.memory_space<hbm>> -> memref<96xf32, #tpu.memory_space<hbm>>
      %dma_start3A_57 = tpu.memref_slice %arg4[%mul3A_51] : memref<8192xf32, #tpu.memory_space<hbm>> -> memref<96xf32, #tpu.memory_space<hbm>>
      %dma_start3A_58 = arith.constant 0 : i32
      %dma_start3A_59 = tpu.memref_slice %arg7[%dma_start3A_58] : memref<192xf32, #tpu.memory_space<vmem>> -> memref<96xf32, #tpu.memory_space<vmem>>
      tpu.enqueue_dma source(%dma_start3A_59 : memref<96xf32, #tpu.memory_space<vmem>>) target(%dma_start3A_57 : memref<96xf32, #tpu.memory_space<hbm>>) target_semaphore(%run_scoped3A : memref<!tpu.dma_semaphore, #tpu.memory_space<semaphore_mem>>)
      %dma_wait3A = arith.constant 0 : i32
      %dma_wait3A_60 = tpu.memref_slice %arg7[%dma_wait3A] : memref<192xf32, #tpu.memory_space<vmem>> -> memref<96xf32, #tpu.memory_space<vmem>>
      %dma_wait3A_61 = tpu.memref_slice %arg4[%mul3A_51] : memref<8192xf32, #tpu.memory_space<hbm>> -> memref<96xf32, #tpu.memory_space<hbm>>
      %dma_wait3A_62 = tpu.memref_slice %arg4[%mul3A_51] : memref<8192xf32, #tpu.memory_space<hbm>> -> memref<96xf32, #tpu.memory_space<hbm>>
      %dma_wait3A_63 = arith.constant 0 : i32
      %dma_wait3A_64 = tpu.memref_slice %arg7[%dma_wait3A_63] : memref<192xf32, #tpu.memory_space<vmem>> -> memref<96xf32, #tpu.memory_space<vmem>>
      tpu.wait_dma2 semaphore(%run_scoped3A : memref<!tpu.dma_semaphore, #tpu.memory_space<semaphore_mem>>) src(%dma_wait3A_64 : memref<96xf32, #tpu.memory_space<vmem>>) dst(%dma_wait3A_62 : memref<96xf32, #tpu.memory_space<hbm>>)
      tpu.yield
    }) : () -> ()
    %add3A_52 = arith.constant 128 : i32
    %add3A_53 = arith.addi %mul3A_51, %add3A_52 : i32
    "tpu.region"() ({
      %run_scoped3A = tpu.sem_alloc : memref<!tpu.dma_semaphore, #tpu.memory_space<semaphore_mem>>
      %dma_start3A_54 = arith.constant 0 : i32
      %dma_start3A_55 = tpu.memref_slice %arg8[%dma_start3A_54] : memref<192xf32, #tpu.memory_space<vmem>> -> memref<96xf32, #tpu.memory_space<vmem>>
      %dma_start3A_56 = tpu.memref_slice %arg4[%add3A_53] : memref<8192xf32, #tpu.memory_space<hbm>> -> memref<96xf32, #tpu.memory_space<hbm>>
      %dma_start3A_57 = tpu.memref_slice %arg4[%add3A_53] : memref<8192xf32, #tpu.memory_space<hbm>> -> memref<96xf32, #tpu.memory_space<hbm>>
      %dma_start3A_58 = arith.constant 0 : i32
      %dma_start3A_59 = tpu.memref_slice %arg8[%dma_start3A_58] : memref<192xf32, #tpu.memory_space<vmem>> -> memref<96xf32, #tpu.memory_space<vmem>>
      tpu.enqueue_dma source(%dma_start3A_59 : memref<96xf32, #tpu.memory_space<vmem>>) target(%dma_start3A_57 : memref<96xf32, #tpu.memory_space<hbm>>) target_semaphore(%run_scoped3A : memref<!tpu.dma_semaphore, #tpu.memory_space<semaphore_mem>>)
      %dma_wait3A = arith.constant 0 : i32
      %dma_wait3A_60 = tpu.memref_slice %arg8[%dma_wait3A] : memref<192xf32, #tpu.memory_space<vmem>> -> memref<96xf32, #tpu.memory_space<vmem>>
      %dma_wait3A_61 = tpu.memref_slice %arg4[%add3A_53] : memref<8192xf32, #tpu.memory_space<hbm>> -> memref<96xf32, #tpu.memory_space<hbm>>
      %dma_wait3A_62 = tpu.memref_slice %arg4[%add3A_53] : memref<8192xf32, #tpu.memory_space<hbm>> -> memref<96xf32, #tpu.memory_space<hbm>>
      %dma_wait3A_63 = arith.constant 0 : i32
      %dma_wait3A_64 = tpu.memref_slice %arg8[%dma_wait3A_63] : memref<192xf32, #tpu.memory_space<vmem>> -> memref<96xf32, #tpu.memory_space<vmem>>
      tpu.wait_dma2 semaphore(%run_scoped3A : memref<!tpu.dma_semaphore, #tpu.memory_space<semaphore_mem>>) src(%dma_wait3A_64 : memref<96xf32, #tpu.memory_space<vmem>>) dst(%dma_wait3A_62 : memref<96xf32, #tpu.memory_space<hbm>>)
      tpu.yield
    }) : () -> ()
    return
  }
}

module attributes {stable_mosaic.version = 14 : i64} {
  func.func @_tc_body(%arg0: i32, %arg1: memref<4096x128xf32, #tpu.memory_space<vmem>>, %arg2: memref<4096x128xf32, #tpu.memory_space<vmem>>, %arg3: memref<12xf32, #tpu.memory_space<smem>>) attributes {dimension_semantics = [#tpu.dimension_semantics<arbitrary>], iteration_bounds = array<i64: 16>, scalar_prefetch = 0 : i64, scratch_operands = 0 : i64, tpu.core_type = #tpu.core_type<tc>, window_params = [{transform_indices = @transform_0, window_bounds = array<i64: 4096, 128>}, {transform_indices = @transform_1, window_bounds = array<i64: 4096, 128>}, {transform_indices = @transform_2, window_bounds = array<i64: 12>}]} {
    %eq3A = arith.constant 0 : i32
    %eq3A_0 = arith.cmpi eq, %arg0, %eq3A : i32
    %convert_element_type3A = arith.extui %eq3A_0 : i1 to i32
    %cond3A = arith.constant 0 : i32
    %cond3A_1 = arith.cmpi ne, %convert_element_type3A, %cond3A : i32
    scf.if %cond3A_1 {
      %swap3A_122 = arith.constant 0.000000e+00 : f32
      %swap3A_123 = arith.constant 0 : index
      %swap3A_124 = memref.load %arg3[%swap3A_123] : memref<12xf32, #tpu.memory_space<smem>>
      memref.store %swap3A_122, %arg3[%swap3A_123] : memref<12xf32, #tpu.memory_space<smem>>
      %swap3A_125 = arith.constant 0.000000e+00 : f32
      %swap3A_126 = arith.constant 1 : index
      %swap3A_127 = memref.load %arg3[%swap3A_126] : memref<12xf32, #tpu.memory_space<smem>>
      memref.store %swap3A_125, %arg3[%swap3A_126] : memref<12xf32, #tpu.memory_space<smem>>
      %swap3A_128 = arith.constant 0.000000e+00 : f32
      %swap3A_129 = arith.constant 2 : index
      %swap3A_130 = memref.load %arg3[%swap3A_129] : memref<12xf32, #tpu.memory_space<smem>>
      memref.store %swap3A_128, %arg3[%swap3A_129] : memref<12xf32, #tpu.memory_space<smem>>
      %swap3A_131 = arith.constant 0.000000e+00 : f32
      %swap3A_132 = arith.constant 3 : index
      %swap3A_133 = memref.load %arg3[%swap3A_132] : memref<12xf32, #tpu.memory_space<smem>>
      memref.store %swap3A_131, %arg3[%swap3A_132] : memref<12xf32, #tpu.memory_space<smem>>
      %swap3A_134 = arith.constant 0.000000e+00 : f32
      %swap3A_135 = arith.constant 4 : index
      %swap3A_136 = memref.load %arg3[%swap3A_135] : memref<12xf32, #tpu.memory_space<smem>>
      memref.store %swap3A_134, %arg3[%swap3A_135] : memref<12xf32, #tpu.memory_space<smem>>
      %swap3A_137 = arith.constant 0.000000e+00 : f32
      %swap3A_138 = arith.constant 5 : index
      %swap3A_139 = memref.load %arg3[%swap3A_138] : memref<12xf32, #tpu.memory_space<smem>>
      memref.store %swap3A_137, %arg3[%swap3A_138] : memref<12xf32, #tpu.memory_space<smem>>
      %swap3A_140 = arith.constant 0.000000e+00 : f32
      %swap3A_141 = arith.constant 6 : index
      %swap3A_142 = memref.load %arg3[%swap3A_141] : memref<12xf32, #tpu.memory_space<smem>>
      memref.store %swap3A_140, %arg3[%swap3A_141] : memref<12xf32, #tpu.memory_space<smem>>
      %swap3A_143 = arith.constant 0.000000e+00 : f32
      %swap3A_144 = arith.constant 7 : index
      %swap3A_145 = memref.load %arg3[%swap3A_144] : memref<12xf32, #tpu.memory_space<smem>>
      memref.store %swap3A_143, %arg3[%swap3A_144] : memref<12xf32, #tpu.memory_space<smem>>
      %swap3A_146 = arith.constant 0.000000e+00 : f32
      %swap3A_147 = arith.constant 8 : index
      %swap3A_148 = memref.load %arg3[%swap3A_147] : memref<12xf32, #tpu.memory_space<smem>>
      memref.store %swap3A_146, %arg3[%swap3A_147] : memref<12xf32, #tpu.memory_space<smem>>
      %swap3A_149 = arith.constant 0.000000e+00 : f32
      %swap3A_150 = arith.constant 9 : index
      %swap3A_151 = memref.load %arg3[%swap3A_150] : memref<12xf32, #tpu.memory_space<smem>>
      memref.store %swap3A_149, %arg3[%swap3A_150] : memref<12xf32, #tpu.memory_space<smem>>
      %swap3A_152 = arith.constant 0.000000e+00 : f32
      %swap3A_153 = arith.constant 10 : index
      %swap3A_154 = memref.load %arg3[%swap3A_153] : memref<12xf32, #tpu.memory_space<smem>>
      memref.store %swap3A_152, %arg3[%swap3A_153] : memref<12xf32, #tpu.memory_space<smem>>
      %swap3A_155 = arith.constant 0.000000e+00 : f32
      %swap3A_156 = arith.constant 11 : index
      %swap3A_157 = memref.load %arg3[%swap3A_156] : memref<12xf32, #tpu.memory_space<smem>>
      memref.store %swap3A_155, %arg3[%swap3A_156] : memref<12xf32, #tpu.memory_space<smem>>
    } else {
    }
    %broadcast_in_dim3A = arith.constant 0.000000e+00 : f32
    %broadcast_in_dim3A_2 = vector.broadcast %broadcast_in_dim3A : f32 to vector<8x128xf32>
    %broadcast_in_dim3A_3 = arith.constant 1.000000e+00 : f32
    %broadcast_in_dim3A_4 = vector.broadcast %broadcast_in_dim3A_3 : f32 to vector<8x128xf32>
    %scan3A = arith.constant 0 : i32
    %scan3A_5 = arith.constant 128 : i32
    %scan3A_6 = arith.addi %scan3A, %scan3A_5 : i32
    %scan3A_7 = arith.constant 1 : i32
    %scan3A_8:11 = scf.for %scan3A_122 = %scan3A to %scan3A_6 step %scan3A_7 iter_args(%scan3A_123 = %broadcast_in_dim3A_2, %scan3A_124 = %broadcast_in_dim3A_2, %scan3A_125 = %broadcast_in_dim3A_2, %scan3A_126 = %broadcast_in_dim3A_2, %scan3A_127 = %broadcast_in_dim3A_2, %scan3A_128 = %broadcast_in_dim3A_2, %scan3A_129 = %broadcast_in_dim3A_2, %scan3A_130 = %broadcast_in_dim3A_2, %scan3A_131 = %broadcast_in_dim3A_2, %scan3A_132 = %broadcast_in_dim3A_2, %scan3A_133 = %broadcast_in_dim3A_2) -> (vector<8x128xf32>, vector<8x128xf32>, vector<8x128xf32>, vector<8x128xf32>, vector<8x128xf32>, vector<8x128xf32>, vector<8x128xf32>, vector<8x128xf32>, vector<8x128xf32>, vector<8x128xf32>, vector<8x128xf32>)  : i32 {
      %mul3A = arith.constant 4 : i32
      %mul3A_134 = arith.muli %scan3A_122, %mul3A : i32
      %add3A_135 = arith.constant 0 : i32
      %add3A_136 = arith.addi %mul3A_134, %add3A_135 : i32
      %mul3A_137 = arith.constant 8 : i32
      %mul3A_138 = arith.muli %add3A_136, %mul3A_137 : i32
      %get3A_139 = arith.index_cast %mul3A_138 : i32 to index
      %get3A_140 = arith.constant 0 : index
      %get3A_141 = vector.load %arg1[%get3A_139, %get3A_140] : memref<4096x128xf32, #tpu.memory_space<vmem>>, vector<8x128xf32>
      %get3A_142 = arith.index_cast %mul3A_138 : i32 to index
      %get3A_143 = arith.constant 0 : index
      %get3A_144 = vector.load %arg2[%get3A_142, %get3A_143] : memref<4096x128xf32, #tpu.memory_space<vmem>>, vector<8x128xf32>
      %sub3A = arith.subf %get3A_141, %get3A_144 : vector<8x128xf32>
      %abs3A = math.absf %sub3A : vector<8x128xf32>
      %min3A = arith.constant 1.000000e+00 : f32
      %min3A_145 = vector.broadcast %min3A : f32 to vector<8x128xf32>
      %min3A_146 = arith.minimumf %abs3A, %min3A_145 : vector<8x128xf32>
      %mul3A_147 = arith.constant 5.000000e-01 : f32
      %mul3A_148 = vector.broadcast %mul3A_147 : f32 to vector<8x128xf32>
      %mul3A_149 = arith.mulf %mul3A_148, %min3A_146 : vector<8x128xf32>
      %sub3A_150 = arith.subf %abs3A, %mul3A_149 : vector<8x128xf32>
      %mul3A_151 = arith.mulf %min3A_146, %sub3A_150 : vector<8x128xf32>
      %lt3A = arith.constant -2.000000e+00 : f32
      %lt3A_152 = vector.broadcast %lt3A : f32 to vector<8x128xf32>
      %lt3A_153 = arith.cmpf olt, %get3A_144, %lt3A_152 : vector<8x128xf32>
      %select_n3A = arith.select %lt3A_153, %mul3A_151, %broadcast_in_dim3A_2 : vector<8x128xi1>, vector<8x128xf32>
      %add3A_154 = arith.addf %scan3A_123, %select_n3A : vector<8x128xf32>
      %lt3A_155 = arith.constant -1.000000e+00 : f32
      %lt3A_156 = vector.broadcast %lt3A_155 : f32 to vector<8x128xf32>
      %lt3A_157 = arith.cmpf olt, %get3A_144, %lt3A_156 : vector<8x128xf32>
      %select_n3A_158 = arith.select %lt3A_157, %mul3A_151, %broadcast_in_dim3A_2 : vector<8x128xi1>, vector<8x128xf32>
      %add3A_159 = arith.addf %scan3A_124, %select_n3A_158 : vector<8x128xf32>
      %lt3A_160 = arith.constant 0.000000e+00 : f32
      %lt3A_161 = vector.broadcast %lt3A_160 : f32 to vector<8x128xf32>
      %lt3A_162 = arith.cmpf olt, %get3A_144, %lt3A_161 : vector<8x128xf32>
      %select_n3A_163 = arith.select %lt3A_162, %mul3A_151, %broadcast_in_dim3A_2 : vector<8x128xi1>, vector<8x128xf32>
      %add3A_164 = arith.addf %scan3A_125, %select_n3A_163 : vector<8x128xf32>
      %lt3A_165 = arith.constant 1.000000e+00 : f32
      %lt3A_166 = vector.broadcast %lt3A_165 : f32 to vector<8x128xf32>
      %lt3A_167 = arith.cmpf olt, %get3A_144, %lt3A_166 : vector<8x128xf32>
      %select_n3A_168 = arith.select %lt3A_167, %mul3A_151, %broadcast_in_dim3A_2 : vector<8x128xi1>, vector<8x128xf32>
      %add3A_169 = arith.addf %scan3A_126, %select_n3A_168 : vector<8x128xf32>
      %lt3A_170 = arith.constant 2.000000e+00 : f32
      %lt3A_171 = vector.broadcast %lt3A_170 : f32 to vector<8x128xf32>
      %lt3A_172 = arith.cmpf olt, %get3A_144, %lt3A_171 : vector<8x128xf32>
      %select_n3A_173 = arith.select %lt3A_172, %mul3A_151, %broadcast_in_dim3A_2 : vector<8x128xi1>, vector<8x128xf32>
      %add3A_174 = arith.addf %scan3A_127, %select_n3A_173 : vector<8x128xf32>
      %lt3A_175 = arith.constant -2.000000e+00 : f32
      %lt3A_176 = vector.broadcast %lt3A_175 : f32 to vector<8x128xf32>
      %lt3A_177 = arith.cmpf olt, %get3A_144, %lt3A_176 : vector<8x128xf32>
      %select_n3A_178 = arith.select %lt3A_177, %broadcast_in_dim3A_4, %broadcast_in_dim3A_2 : vector<8x128xi1>, vector<8x128xf32>
      %add3A_179 = arith.addf %scan3A_128, %select_n3A_178 : vector<8x128xf32>
      %lt3A_180 = arith.constant -1.000000e+00 : f32
      %lt3A_181 = vector.broadcast %lt3A_180 : f32 to vector<8x128xf32>
      %lt3A_182 = arith.cmpf olt, %get3A_144, %lt3A_181 : vector<8x128xf32>
      %select_n3A_183 = arith.select %lt3A_182, %broadcast_in_dim3A_4, %broadcast_in_dim3A_2 : vector<8x128xi1>, vector<8x128xf32>
      %add3A_184 = arith.addf %scan3A_129, %select_n3A_183 : vector<8x128xf32>
      %lt3A_185 = arith.constant 0.000000e+00 : f32
      %lt3A_186 = vector.broadcast %lt3A_185 : f32 to vector<8x128xf32>
      %lt3A_187 = arith.cmpf olt, %get3A_144, %lt3A_186 : vector<8x128xf32>
      %select_n3A_188 = arith.select %lt3A_187, %broadcast_in_dim3A_4, %broadcast_in_dim3A_2 : vector<8x128xi1>, vector<8x128xf32>
      %add3A_189 = arith.addf %scan3A_130, %select_n3A_188 : vector<8x128xf32>
      %lt3A_190 = arith.constant 1.000000e+00 : f32
      %lt3A_191 = vector.broadcast %lt3A_190 : f32 to vector<8x128xf32>
      %lt3A_192 = arith.cmpf olt, %get3A_144, %lt3A_191 : vector<8x128xf32>
      %select_n3A_193 = arith.select %lt3A_192, %broadcast_in_dim3A_4, %broadcast_in_dim3A_2 : vector<8x128xi1>, vector<8x128xf32>
      %add3A_194 = arith.addf %scan3A_131, %select_n3A_193 : vector<8x128xf32>
      %lt3A_195 = arith.constant 2.000000e+00 : f32
      %lt3A_196 = vector.broadcast %lt3A_195 : f32 to vector<8x128xf32>
      %lt3A_197 = arith.cmpf olt, %get3A_144, %lt3A_196 : vector<8x128xf32>
      %select_n3A_198 = arith.select %lt3A_197, %broadcast_in_dim3A_4, %broadcast_in_dim3A_2 : vector<8x128xi1>, vector<8x128xf32>
      %add3A_199 = arith.addf %scan3A_132, %select_n3A_198 : vector<8x128xf32>
      %add3A_200 = arith.addf %scan3A_133, %mul3A_151 : vector<8x128xf32>
      %mul3A_201 = arith.constant 4 : i32
      %mul3A_202 = arith.muli %scan3A_122, %mul3A_201 : i32
      %add3A_203 = arith.constant 1 : i32
      %add3A_204 = arith.addi %mul3A_202, %add3A_203 : i32
      %mul3A_205 = arith.constant 8 : i32
      %mul3A_206 = arith.muli %add3A_204, %mul3A_205 : i32
      %get3A_207 = arith.index_cast %mul3A_206 : i32 to index
      %get3A_208 = arith.constant 0 : index
      %get3A_209 = vector.load %arg1[%get3A_207, %get3A_208] : memref<4096x128xf32, #tpu.memory_space<vmem>>, vector<8x128xf32>
      %get3A_210 = arith.index_cast %mul3A_206 : i32 to index
      %get3A_211 = arith.constant 0 : index
      %get3A_212 = vector.load %arg2[%get3A_210, %get3A_211] : memref<4096x128xf32, #tpu.memory_space<vmem>>, vector<8x128xf32>
      %sub3A_213 = arith.subf %get3A_209, %get3A_212 : vector<8x128xf32>
      %abs3A_214 = math.absf %sub3A_213 : vector<8x128xf32>
      %min3A_215 = arith.constant 1.000000e+00 : f32
      %min3A_216 = vector.broadcast %min3A_215 : f32 to vector<8x128xf32>
      %min3A_217 = arith.minimumf %abs3A_214, %min3A_216 : vector<8x128xf32>
      %mul3A_218 = arith.constant 5.000000e-01 : f32
      %mul3A_219 = vector.broadcast %mul3A_218 : f32 to vector<8x128xf32>
      %mul3A_220 = arith.mulf %mul3A_219, %min3A_217 : vector<8x128xf32>
      %sub3A_221 = arith.subf %abs3A_214, %mul3A_220 : vector<8x128xf32>
      %mul3A_222 = arith.mulf %min3A_217, %sub3A_221 : vector<8x128xf32>
      %lt3A_223 = arith.constant -2.000000e+00 : f32
      %lt3A_224 = vector.broadcast %lt3A_223 : f32 to vector<8x128xf32>
      %lt3A_225 = arith.cmpf olt, %get3A_212, %lt3A_224 : vector<8x128xf32>
      %select_n3A_226 = arith.select %lt3A_225, %mul3A_222, %broadcast_in_dim3A_2 : vector<8x128xi1>, vector<8x128xf32>
      %add3A_227 = arith.addf %add3A_154, %select_n3A_226 : vector<8x128xf32>
      %lt3A_228 = arith.constant -1.000000e+00 : f32
      %lt3A_229 = vector.broadcast %lt3A_228 : f32 to vector<8x128xf32>
      %lt3A_230 = arith.cmpf olt, %get3A_212, %lt3A_229 : vector<8x128xf32>
      %select_n3A_231 = arith.select %lt3A_230, %mul3A_222, %broadcast_in_dim3A_2 : vector<8x128xi1>, vector<8x128xf32>
      %add3A_232 = arith.addf %add3A_159, %select_n3A_231 : vector<8x128xf32>
      %lt3A_233 = arith.constant 0.000000e+00 : f32
      %lt3A_234 = vector.broadcast %lt3A_233 : f32 to vector<8x128xf32>
      %lt3A_235 = arith.cmpf olt, %get3A_212, %lt3A_234 : vector<8x128xf32>
      %select_n3A_236 = arith.select %lt3A_235, %mul3A_222, %broadcast_in_dim3A_2 : vector<8x128xi1>, vector<8x128xf32>
      %add3A_237 = arith.addf %add3A_164, %select_n3A_236 : vector<8x128xf32>
      %lt3A_238 = arith.constant 1.000000e+00 : f32
      %lt3A_239 = vector.broadcast %lt3A_238 : f32 to vector<8x128xf32>
      %lt3A_240 = arith.cmpf olt, %get3A_212, %lt3A_239 : vector<8x128xf32>
      %select_n3A_241 = arith.select %lt3A_240, %mul3A_222, %broadcast_in_dim3A_2 : vector<8x128xi1>, vector<8x128xf32>
      %add3A_242 = arith.addf %add3A_169, %select_n3A_241 : vector<8x128xf32>
      %lt3A_243 = arith.constant 2.000000e+00 : f32
      %lt3A_244 = vector.broadcast %lt3A_243 : f32 to vector<8x128xf32>
      %lt3A_245 = arith.cmpf olt, %get3A_212, %lt3A_244 : vector<8x128xf32>
      %select_n3A_246 = arith.select %lt3A_245, %mul3A_222, %broadcast_in_dim3A_2 : vector<8x128xi1>, vector<8x128xf32>
      %add3A_247 = arith.addf %add3A_174, %select_n3A_246 : vector<8x128xf32>
      %lt3A_248 = arith.constant -2.000000e+00 : f32
      %lt3A_249 = vector.broadcast %lt3A_248 : f32 to vector<8x128xf32>
      %lt3A_250 = arith.cmpf olt, %get3A_212, %lt3A_249 : vector<8x128xf32>
      %select_n3A_251 = arith.select %lt3A_250, %broadcast_in_dim3A_4, %broadcast_in_dim3A_2 : vector<8x128xi1>, vector<8x128xf32>
      %add3A_252 = arith.addf %add3A_179, %select_n3A_251 : vector<8x128xf32>
      %lt3A_253 = arith.constant -1.000000e+00 : f32
      %lt3A_254 = vector.broadcast %lt3A_253 : f32 to vector<8x128xf32>
      %lt3A_255 = arith.cmpf olt, %get3A_212, %lt3A_254 : vector<8x128xf32>
      %select_n3A_256 = arith.select %lt3A_255, %broadcast_in_dim3A_4, %broadcast_in_dim3A_2 : vector<8x128xi1>, vector<8x128xf32>
      %add3A_257 = arith.addf %add3A_184, %select_n3A_256 : vector<8x128xf32>
      %lt3A_258 = arith.constant 0.000000e+00 : f32
      %lt3A_259 = vector.broadcast %lt3A_258 : f32 to vector<8x128xf32>
      %lt3A_260 = arith.cmpf olt, %get3A_212, %lt3A_259 : vector<8x128xf32>
      %select_n3A_261 = arith.select %lt3A_260, %broadcast_in_dim3A_4, %broadcast_in_dim3A_2 : vector<8x128xi1>, vector<8x128xf32>
      %add3A_262 = arith.addf %add3A_189, %select_n3A_261 : vector<8x128xf32>
      %lt3A_263 = arith.constant 1.000000e+00 : f32
      %lt3A_264 = vector.broadcast %lt3A_263 : f32 to vector<8x128xf32>
      %lt3A_265 = arith.cmpf olt, %get3A_212, %lt3A_264 : vector<8x128xf32>
      %select_n3A_266 = arith.select %lt3A_265, %broadcast_in_dim3A_4, %broadcast_in_dim3A_2 : vector<8x128xi1>, vector<8x128xf32>
      %add3A_267 = arith.addf %add3A_194, %select_n3A_266 : vector<8x128xf32>
      %lt3A_268 = arith.constant 2.000000e+00 : f32
      %lt3A_269 = vector.broadcast %lt3A_268 : f32 to vector<8x128xf32>
      %lt3A_270 = arith.cmpf olt, %get3A_212, %lt3A_269 : vector<8x128xf32>
      %select_n3A_271 = arith.select %lt3A_270, %broadcast_in_dim3A_4, %broadcast_in_dim3A_2 : vector<8x128xi1>, vector<8x128xf32>
      %add3A_272 = arith.addf %add3A_199, %select_n3A_271 : vector<8x128xf32>
      %add3A_273 = arith.addf %add3A_200, %mul3A_222 : vector<8x128xf32>
      %mul3A_274 = arith.constant 4 : i32
      %mul3A_275 = arith.muli %scan3A_122, %mul3A_274 : i32
      %add3A_276 = arith.constant 2 : i32
      %add3A_277 = arith.addi %mul3A_275, %add3A_276 : i32
      %mul3A_278 = arith.constant 8 : i32
      %mul3A_279 = arith.muli %add3A_277, %mul3A_278 : i32
      %get3A_280 = arith.index_cast %mul3A_279 : i32 to index
      %get3A_281 = arith.constant 0 : index
      %get3A_282 = vector.load %arg1[%get3A_280, %get3A_281] : memref<4096x128xf32, #tpu.memory_space<vmem>>, vector<8x128xf32>
      %get3A_283 = arith.index_cast %mul3A_279 : i32 to index
      %get3A_284 = arith.constant 0 : index
      %get3A_285 = vector.load %arg2[%get3A_283, %get3A_284] : memref<4096x128xf32, #tpu.memory_space<vmem>>, vector<8x128xf32>
      %sub3A_286 = arith.subf %get3A_282, %get3A_285 : vector<8x128xf32>
      %abs3A_287 = math.absf %sub3A_286 : vector<8x128xf32>
      %min3A_288 = arith.constant 1.000000e+00 : f32
      %min3A_289 = vector.broadcast %min3A_288 : f32 to vector<8x128xf32>
      %min3A_290 = arith.minimumf %abs3A_287, %min3A_289 : vector<8x128xf32>
      %mul3A_291 = arith.constant 5.000000e-01 : f32
      %mul3A_292 = vector.broadcast %mul3A_291 : f32 to vector<8x128xf32>
      %mul3A_293 = arith.mulf %mul3A_292, %min3A_290 : vector<8x128xf32>
      %sub3A_294 = arith.subf %abs3A_287, %mul3A_293 : vector<8x128xf32>
      %mul3A_295 = arith.mulf %min3A_290, %sub3A_294 : vector<8x128xf32>
      %lt3A_296 = arith.constant -2.000000e+00 : f32
      %lt3A_297 = vector.broadcast %lt3A_296 : f32 to vector<8x128xf32>
      %lt3A_298 = arith.cmpf olt, %get3A_285, %lt3A_297 : vector<8x128xf32>
      %select_n3A_299 = arith.select %lt3A_298, %mul3A_295, %broadcast_in_dim3A_2 : vector<8x128xi1>, vector<8x128xf32>
      %add3A_300 = arith.addf %add3A_227, %select_n3A_299 : vector<8x128xf32>
      %lt3A_301 = arith.constant -1.000000e+00 : f32
      %lt3A_302 = vector.broadcast %lt3A_301 : f32 to vector<8x128xf32>
      %lt3A_303 = arith.cmpf olt, %get3A_285, %lt3A_302 : vector<8x128xf32>
      %select_n3A_304 = arith.select %lt3A_303, %mul3A_295, %broadcast_in_dim3A_2 : vector<8x128xi1>, vector<8x128xf32>
      %add3A_305 = arith.addf %add3A_232, %select_n3A_304 : vector<8x128xf32>
      %lt3A_306 = arith.constant 0.000000e+00 : f32
      %lt3A_307 = vector.broadcast %lt3A_306 : f32 to vector<8x128xf32>
      %lt3A_308 = arith.cmpf olt, %get3A_285, %lt3A_307 : vector<8x128xf32>
      %select_n3A_309 = arith.select %lt3A_308, %mul3A_295, %broadcast_in_dim3A_2 : vector<8x128xi1>, vector<8x128xf32>
      %add3A_310 = arith.addf %add3A_237, %select_n3A_309 : vector<8x128xf32>
      %lt3A_311 = arith.constant 1.000000e+00 : f32
      %lt3A_312 = vector.broadcast %lt3A_311 : f32 to vector<8x128xf32>
      %lt3A_313 = arith.cmpf olt, %get3A_285, %lt3A_312 : vector<8x128xf32>
      %select_n3A_314 = arith.select %lt3A_313, %mul3A_295, %broadcast_in_dim3A_2 : vector<8x128xi1>, vector<8x128xf32>
      %add3A_315 = arith.addf %add3A_242, %select_n3A_314 : vector<8x128xf32>
      %lt3A_316 = arith.constant 2.000000e+00 : f32
      %lt3A_317 = vector.broadcast %lt3A_316 : f32 to vector<8x128xf32>
      %lt3A_318 = arith.cmpf olt, %get3A_285, %lt3A_317 : vector<8x128xf32>
      %select_n3A_319 = arith.select %lt3A_318, %mul3A_295, %broadcast_in_dim3A_2 : vector<8x128xi1>, vector<8x128xf32>
      %add3A_320 = arith.addf %add3A_247, %select_n3A_319 : vector<8x128xf32>
      %lt3A_321 = arith.constant -2.000000e+00 : f32
      %lt3A_322 = vector.broadcast %lt3A_321 : f32 to vector<8x128xf32>
      %lt3A_323 = arith.cmpf olt, %get3A_285, %lt3A_322 : vector<8x128xf32>
      %select_n3A_324 = arith.select %lt3A_323, %broadcast_in_dim3A_4, %broadcast_in_dim3A_2 : vector<8x128xi1>, vector<8x128xf32>
      %add3A_325 = arith.addf %add3A_252, %select_n3A_324 : vector<8x128xf32>
      %lt3A_326 = arith.constant -1.000000e+00 : f32
      %lt3A_327 = vector.broadcast %lt3A_326 : f32 to vector<8x128xf32>
      %lt3A_328 = arith.cmpf olt, %get3A_285, %lt3A_327 : vector<8x128xf32>
      %select_n3A_329 = arith.select %lt3A_328, %broadcast_in_dim3A_4, %broadcast_in_dim3A_2 : vector<8x128xi1>, vector<8x128xf32>
      %add3A_330 = arith.addf %add3A_257, %select_n3A_329 : vector<8x128xf32>
      %lt3A_331 = arith.constant 0.000000e+00 : f32
      %lt3A_332 = vector.broadcast %lt3A_331 : f32 to vector<8x128xf32>
      %lt3A_333 = arith.cmpf olt, %get3A_285, %lt3A_332 : vector<8x128xf32>
      %select_n3A_334 = arith.select %lt3A_333, %broadcast_in_dim3A_4, %broadcast_in_dim3A_2 : vector<8x128xi1>, vector<8x128xf32>
      %add3A_335 = arith.addf %add3A_262, %select_n3A_334 : vector<8x128xf32>
      %lt3A_336 = arith.constant 1.000000e+00 : f32
      %lt3A_337 = vector.broadcast %lt3A_336 : f32 to vector<8x128xf32>
      %lt3A_338 = arith.cmpf olt, %get3A_285, %lt3A_337 : vector<8x128xf32>
      %select_n3A_339 = arith.select %lt3A_338, %broadcast_in_dim3A_4, %broadcast_in_dim3A_2 : vector<8x128xi1>, vector<8x128xf32>
      %add3A_340 = arith.addf %add3A_267, %select_n3A_339 : vector<8x128xf32>
      %lt3A_341 = arith.constant 2.000000e+00 : f32
      %lt3A_342 = vector.broadcast %lt3A_341 : f32 to vector<8x128xf32>
      %lt3A_343 = arith.cmpf olt, %get3A_285, %lt3A_342 : vector<8x128xf32>
      %select_n3A_344 = arith.select %lt3A_343, %broadcast_in_dim3A_4, %broadcast_in_dim3A_2 : vector<8x128xi1>, vector<8x128xf32>
      %add3A_345 = arith.addf %add3A_272, %select_n3A_344 : vector<8x128xf32>
      %add3A_346 = arith.addf %add3A_273, %mul3A_295 : vector<8x128xf32>
      %mul3A_347 = arith.constant 4 : i32
      %mul3A_348 = arith.muli %scan3A_122, %mul3A_347 : i32
      %add3A_349 = arith.constant 3 : i32
      %add3A_350 = arith.addi %mul3A_348, %add3A_349 : i32
      %mul3A_351 = arith.constant 8 : i32
      %mul3A_352 = arith.muli %add3A_350, %mul3A_351 : i32
      %get3A_353 = arith.index_cast %mul3A_352 : i32 to index
      %get3A_354 = arith.constant 0 : index
      %get3A_355 = vector.load %arg1[%get3A_353, %get3A_354] : memref<4096x128xf32, #tpu.memory_space<vmem>>, vector<8x128xf32>
      %get3A_356 = arith.index_cast %mul3A_352 : i32 to index
      %get3A_357 = arith.constant 0 : index
      %get3A_358 = vector.load %arg2[%get3A_356, %get3A_357] : memref<4096x128xf32, #tpu.memory_space<vmem>>, vector<8x128xf32>
      %sub3A_359 = arith.subf %get3A_355, %get3A_358 : vector<8x128xf32>
      %abs3A_360 = math.absf %sub3A_359 : vector<8x128xf32>
      %min3A_361 = arith.constant 1.000000e+00 : f32
      %min3A_362 = vector.broadcast %min3A_361 : f32 to vector<8x128xf32>
      %min3A_363 = arith.minimumf %abs3A_360, %min3A_362 : vector<8x128xf32>
      %mul3A_364 = arith.constant 5.000000e-01 : f32
      %mul3A_365 = vector.broadcast %mul3A_364 : f32 to vector<8x128xf32>
      %mul3A_366 = arith.mulf %mul3A_365, %min3A_363 : vector<8x128xf32>
      %sub3A_367 = arith.subf %abs3A_360, %mul3A_366 : vector<8x128xf32>
      %mul3A_368 = arith.mulf %min3A_363, %sub3A_367 : vector<8x128xf32>
      %lt3A_369 = arith.constant -2.000000e+00 : f32
      %lt3A_370 = vector.broadcast %lt3A_369 : f32 to vector<8x128xf32>
      %lt3A_371 = arith.cmpf olt, %get3A_358, %lt3A_370 : vector<8x128xf32>
      %select_n3A_372 = arith.select %lt3A_371, %mul3A_368, %broadcast_in_dim3A_2 : vector<8x128xi1>, vector<8x128xf32>
      %add3A_373 = arith.addf %add3A_300, %select_n3A_372 : vector<8x128xf32>
      %lt3A_374 = arith.constant -1.000000e+00 : f32
      %lt3A_375 = vector.broadcast %lt3A_374 : f32 to vector<8x128xf32>
      %lt3A_376 = arith.cmpf olt, %get3A_358, %lt3A_375 : vector<8x128xf32>
      %select_n3A_377 = arith.select %lt3A_376, %mul3A_368, %broadcast_in_dim3A_2 : vector<8x128xi1>, vector<8x128xf32>
      %add3A_378 = arith.addf %add3A_305, %select_n3A_377 : vector<8x128xf32>
      %lt3A_379 = arith.constant 0.000000e+00 : f32
      %lt3A_380 = vector.broadcast %lt3A_379 : f32 to vector<8x128xf32>
      %lt3A_381 = arith.cmpf olt, %get3A_358, %lt3A_380 : vector<8x128xf32>
      %select_n3A_382 = arith.select %lt3A_381, %mul3A_368, %broadcast_in_dim3A_2 : vector<8x128xi1>, vector<8x128xf32>
      %add3A_383 = arith.addf %add3A_310, %select_n3A_382 : vector<8x128xf32>
      %lt3A_384 = arith.constant 1.000000e+00 : f32
      %lt3A_385 = vector.broadcast %lt3A_384 : f32 to vector<8x128xf32>
      %lt3A_386 = arith.cmpf olt, %get3A_358, %lt3A_385 : vector<8x128xf32>
      %select_n3A_387 = arith.select %lt3A_386, %mul3A_368, %broadcast_in_dim3A_2 : vector<8x128xi1>, vector<8x128xf32>
      %add3A_388 = arith.addf %add3A_315, %select_n3A_387 : vector<8x128xf32>
      %lt3A_389 = arith.constant 2.000000e+00 : f32
      %lt3A_390 = vector.broadcast %lt3A_389 : f32 to vector<8x128xf32>
      %lt3A_391 = arith.cmpf olt, %get3A_358, %lt3A_390 : vector<8x128xf32>
      %select_n3A_392 = arith.select %lt3A_391, %mul3A_368, %broadcast_in_dim3A_2 : vector<8x128xi1>, vector<8x128xf32>
      %add3A_393 = arith.addf %add3A_320, %select_n3A_392 : vector<8x128xf32>
      %lt3A_394 = arith.constant -2.000000e+00 : f32
      %lt3A_395 = vector.broadcast %lt3A_394 : f32 to vector<8x128xf32>
      %lt3A_396 = arith.cmpf olt, %get3A_358, %lt3A_395 : vector<8x128xf32>
      %select_n3A_397 = arith.select %lt3A_396, %broadcast_in_dim3A_4, %broadcast_in_dim3A_2 : vector<8x128xi1>, vector<8x128xf32>
      %add3A_398 = arith.addf %add3A_325, %select_n3A_397 : vector<8x128xf32>
      %lt3A_399 = arith.constant -1.000000e+00 : f32
      %lt3A_400 = vector.broadcast %lt3A_399 : f32 to vector<8x128xf32>
      %lt3A_401 = arith.cmpf olt, %get3A_358, %lt3A_400 : vector<8x128xf32>
      %select_n3A_402 = arith.select %lt3A_401, %broadcast_in_dim3A_4, %broadcast_in_dim3A_2 : vector<8x128xi1>, vector<8x128xf32>
      %add3A_403 = arith.addf %add3A_330, %select_n3A_402 : vector<8x128xf32>
      %lt3A_404 = arith.constant 0.000000e+00 : f32
      %lt3A_405 = vector.broadcast %lt3A_404 : f32 to vector<8x128xf32>
      %lt3A_406 = arith.cmpf olt, %get3A_358, %lt3A_405 : vector<8x128xf32>
      %select_n3A_407 = arith.select %lt3A_406, %broadcast_in_dim3A_4, %broadcast_in_dim3A_2 : vector<8x128xi1>, vector<8x128xf32>
      %add3A_408 = arith.addf %add3A_335, %select_n3A_407 : vector<8x128xf32>
      %lt3A_409 = arith.constant 1.000000e+00 : f32
      %lt3A_410 = vector.broadcast %lt3A_409 : f32 to vector<8x128xf32>
      %lt3A_411 = arith.cmpf olt, %get3A_358, %lt3A_410 : vector<8x128xf32>
      %select_n3A_412 = arith.select %lt3A_411, %broadcast_in_dim3A_4, %broadcast_in_dim3A_2 : vector<8x128xi1>, vector<8x128xf32>
      %add3A_413 = arith.addf %add3A_340, %select_n3A_412 : vector<8x128xf32>
      %lt3A_414 = arith.constant 2.000000e+00 : f32
      %lt3A_415 = vector.broadcast %lt3A_414 : f32 to vector<8x128xf32>
      %lt3A_416 = arith.cmpf olt, %get3A_358, %lt3A_415 : vector<8x128xf32>
      %select_n3A_417 = arith.select %lt3A_416, %broadcast_in_dim3A_4, %broadcast_in_dim3A_2 : vector<8x128xi1>, vector<8x128xf32>
      %add3A_418 = arith.addf %add3A_345, %select_n3A_417 : vector<8x128xf32>
      %add3A_419 = arith.addf %add3A_346, %mul3A_368 : vector<8x128xf32>
      scf.yield %add3A_373, %add3A_378, %add3A_383, %add3A_388, %add3A_393, %add3A_398, %add3A_403, %add3A_408, %add3A_413, %add3A_418, %add3A_419 : vector<8x128xf32>, vector<8x128xf32>, vector<8x128xf32>, vector<8x128xf32>, vector<8x128xf32>, vector<8x128xf32>, vector<8x128xf32>, vector<8x128xf32>, vector<8x128xf32>, vector<8x128xf32>, vector<8x128xf32>
    }
    %scan3A_9 = arith.constant 128 : i32
    %get3A = arith.constant 0 : index
    %get3A_10 = memref.load %arg3[%get3A] : memref<12xf32, #tpu.memory_space<smem>>
    %reduce_sum3A = vector.shape_cast %scan3A_8#0 : vector<8x128xf32> to vector<1x8x128xf32>
    %reduce_sum3A_11 = arith.constant dense<0.000000e+00> : vector<1xf32>
    %reduce_sum3A_12 = vector.multi_reduction <add>, %reduce_sum3A, %reduce_sum3A_11 [1, 2] : vector<1x8x128xf32> to vector<1xf32>
    %reduce_sum3A_13 = vector.shape_cast %reduce_sum3A_12 : vector<1xf32> to vector<1x1x1xf32>
    %reduce_sum3A_14 = vector.extract %reduce_sum3A_13[0, 0, 0] : f32 from vector<1x1x1xf32>
    %add3A = arith.addf %get3A_10, %reduce_sum3A_14 : f32
    %swap3A = arith.constant 0 : index
    %swap3A_15 = memref.load %arg3[%swap3A] : memref<12xf32, #tpu.memory_space<smem>>
    memref.store %add3A, %arg3[%swap3A] : memref<12xf32, #tpu.memory_space<smem>>
    %get3A_16 = arith.constant 6 : index
    %get3A_17 = memref.load %arg3[%get3A_16] : memref<12xf32, #tpu.memory_space<smem>>
    %reduce_sum3A_18 = vector.shape_cast %scan3A_8#5 : vector<8x128xf32> to vector<1x8x128xf32>
    %reduce_sum3A_19 = arith.constant dense<0.000000e+00> : vector<1xf32>
    %reduce_sum3A_20 = vector.multi_reduction <add>, %reduce_sum3A_18, %reduce_sum3A_19 [1, 2] : vector<1x8x128xf32> to vector<1xf32>
    %reduce_sum3A_21 = vector.shape_cast %reduce_sum3A_20 : vector<1xf32> to vector<1x1x1xf32>
    %reduce_sum3A_22 = vector.extract %reduce_sum3A_21[0, 0, 0] : f32 from vector<1x1x1xf32>
    %add3A_23 = arith.addf %get3A_17, %reduce_sum3A_22 : f32
    %swap3A_24 = arith.constant 6 : index
    %swap3A_25 = memref.load %arg3[%swap3A_24] : memref<12xf32, #tpu.memory_space<smem>>
    memref.store %add3A_23, %arg3[%swap3A_24] : memref<12xf32, #tpu.memory_space<smem>>
    %get3A_26 = arith.constant 1 : index
    %get3A_27 = memref.load %arg3[%get3A_26] : memref<12xf32, #tpu.memory_space<smem>>
    %reduce_sum3A_28 = vector.shape_cast %scan3A_8#1 : vector<8x128xf32> to vector<1x8x128xf32>
    %reduce_sum3A_29 = arith.constant dense<0.000000e+00> : vector<1xf32>
    %reduce_sum3A_30 = vector.multi_reduction <add>, %reduce_sum3A_28, %reduce_sum3A_29 [1, 2] : vector<1x8x128xf32> to vector<1xf32>
    %reduce_sum3A_31 = vector.shape_cast %reduce_sum3A_30 : vector<1xf32> to vector<1x1x1xf32>
    %reduce_sum3A_32 = vector.extract %reduce_sum3A_31[0, 0, 0] : f32 from vector<1x1x1xf32>
    %add3A_33 = arith.addf %get3A_27, %reduce_sum3A_32 : f32
    %swap3A_34 = arith.constant 1 : index
    %swap3A_35 = memref.load %arg3[%swap3A_34] : memref<12xf32, #tpu.memory_space<smem>>
    memref.store %add3A_33, %arg3[%swap3A_34] : memref<12xf32, #tpu.memory_space<smem>>
    %get3A_36 = arith.constant 7 : index
    %get3A_37 = memref.load %arg3[%get3A_36] : memref<12xf32, #tpu.memory_space<smem>>
    %reduce_sum3A_38 = vector.shape_cast %scan3A_8#6 : vector<8x128xf32> to vector<1x8x128xf32>
    %reduce_sum3A_39 = arith.constant dense<0.000000e+00> : vector<1xf32>
    %reduce_sum3A_40 = vector.multi_reduction <add>, %reduce_sum3A_38, %reduce_sum3A_39 [1, 2] : vector<1x8x128xf32> to vector<1xf32>
    %reduce_sum3A_41 = vector.shape_cast %reduce_sum3A_40 : vector<1xf32> to vector<1x1x1xf32>
    %reduce_sum3A_42 = vector.extract %reduce_sum3A_41[0, 0, 0] : f32 from vector<1x1x1xf32>
    %add3A_43 = arith.addf %get3A_37, %reduce_sum3A_42 : f32
    %swap3A_44 = arith.constant 7 : index
    %swap3A_45 = memref.load %arg3[%swap3A_44] : memref<12xf32, #tpu.memory_space<smem>>
    memref.store %add3A_43, %arg3[%swap3A_44] : memref<12xf32, #tpu.memory_space<smem>>
    %get3A_46 = arith.constant 2 : index
    %get3A_47 = memref.load %arg3[%get3A_46] : memref<12xf32, #tpu.memory_space<smem>>
    %reduce_sum3A_48 = vector.shape_cast %scan3A_8#2 : vector<8x128xf32> to vector<1x8x128xf32>
    %reduce_sum3A_49 = arith.constant dense<0.000000e+00> : vector<1xf32>
    %reduce_sum3A_50 = vector.multi_reduction <add>, %reduce_sum3A_48, %reduce_sum3A_49 [1, 2] : vector<1x8x128xf32> to vector<1xf32>
    %reduce_sum3A_51 = vector.shape_cast %reduce_sum3A_50 : vector<1xf32> to vector<1x1x1xf32>
    %reduce_sum3A_52 = vector.extract %reduce_sum3A_51[0, 0, 0] : f32 from vector<1x1x1xf32>
    %add3A_53 = arith.addf %get3A_47, %reduce_sum3A_52 : f32
    %swap3A_54 = arith.constant 2 : index
    %swap3A_55 = memref.load %arg3[%swap3A_54] : memref<12xf32, #tpu.memory_space<smem>>
    memref.store %add3A_53, %arg3[%swap3A_54] : memref<12xf32, #tpu.memory_space<smem>>
    %get3A_56 = arith.constant 8 : index
    %get3A_57 = memref.load %arg3[%get3A_56] : memref<12xf32, #tpu.memory_space<smem>>
    %reduce_sum3A_58 = vector.shape_cast %scan3A_8#7 : vector<8x128xf32> to vector<1x8x128xf32>
    %reduce_sum3A_59 = arith.constant dense<0.000000e+00> : vector<1xf32>
    %reduce_sum3A_60 = vector.multi_reduction <add>, %reduce_sum3A_58, %reduce_sum3A_59 [1, 2] : vector<1x8x128xf32> to vector<1xf32>
    %reduce_sum3A_61 = vector.shape_cast %reduce_sum3A_60 : vector<1xf32> to vector<1x1x1xf32>
    %reduce_sum3A_62 = vector.extract %reduce_sum3A_61[0, 0, 0] : f32 from vector<1x1x1xf32>
    %add3A_63 = arith.addf %get3A_57, %reduce_sum3A_62 : f32
    %swap3A_64 = arith.constant 8 : index
    %swap3A_65 = memref.load %arg3[%swap3A_64] : memref<12xf32, #tpu.memory_space<smem>>
    memref.store %add3A_63, %arg3[%swap3A_64] : memref<12xf32, #tpu.memory_space<smem>>
    %get3A_66 = arith.constant 3 : index
    %get3A_67 = memref.load %arg3[%get3A_66] : memref<12xf32, #tpu.memory_space<smem>>
    %reduce_sum3A_68 = vector.shape_cast %scan3A_8#3 : vector<8x128xf32> to vector<1x8x128xf32>
    %reduce_sum3A_69 = arith.constant dense<0.000000e+00> : vector<1xf32>
    %reduce_sum3A_70 = vector.multi_reduction <add>, %reduce_sum3A_68, %reduce_sum3A_69 [1, 2] : vector<1x8x128xf32> to vector<1xf32>
    %reduce_sum3A_71 = vector.shape_cast %reduce_sum3A_70 : vector<1xf32> to vector<1x1x1xf32>
    %reduce_sum3A_72 = vector.extract %reduce_sum3A_71[0, 0, 0] : f32 from vector<1x1x1xf32>
    %add3A_73 = arith.addf %get3A_67, %reduce_sum3A_72 : f32
    %swap3A_74 = arith.constant 3 : index
    %swap3A_75 = memref.load %arg3[%swap3A_74] : memref<12xf32, #tpu.memory_space<smem>>
    memref.store %add3A_73, %arg3[%swap3A_74] : memref<12xf32, #tpu.memory_space<smem>>
    %get3A_76 = arith.constant 9 : index
    %get3A_77 = memref.load %arg3[%get3A_76] : memref<12xf32, #tpu.memory_space<smem>>
    %reduce_sum3A_78 = vector.shape_cast %scan3A_8#8 : vector<8x128xf32> to vector<1x8x128xf32>
    %reduce_sum3A_79 = arith.constant dense<0.000000e+00> : vector<1xf32>
    %reduce_sum3A_80 = vector.multi_reduction <add>, %reduce_sum3A_78, %reduce_sum3A_79 [1, 2] : vector<1x8x128xf32> to vector<1xf32>
    %reduce_sum3A_81 = vector.shape_cast %reduce_sum3A_80 : vector<1xf32> to vector<1x1x1xf32>
    %reduce_sum3A_82 = vector.extract %reduce_sum3A_81[0, 0, 0] : f32 from vector<1x1x1xf32>
    %add3A_83 = arith.addf %get3A_77, %reduce_sum3A_82 : f32
    %swap3A_84 = arith.constant 9 : index
    %swap3A_85 = memref.load %arg3[%swap3A_84] : memref<12xf32, #tpu.memory_space<smem>>
    memref.store %add3A_83, %arg3[%swap3A_84] : memref<12xf32, #tpu.memory_space<smem>>
    %get3A_86 = arith.constant 4 : index
    %get3A_87 = memref.load %arg3[%get3A_86] : memref<12xf32, #tpu.memory_space<smem>>
    %reduce_sum3A_88 = vector.shape_cast %scan3A_8#4 : vector<8x128xf32> to vector<1x8x128xf32>
    %reduce_sum3A_89 = arith.constant dense<0.000000e+00> : vector<1xf32>
    %reduce_sum3A_90 = vector.multi_reduction <add>, %reduce_sum3A_88, %reduce_sum3A_89 [1, 2] : vector<1x8x128xf32> to vector<1xf32>
    %reduce_sum3A_91 = vector.shape_cast %reduce_sum3A_90 : vector<1xf32> to vector<1x1x1xf32>
    %reduce_sum3A_92 = vector.extract %reduce_sum3A_91[0, 0, 0] : f32 from vector<1x1x1xf32>
    %add3A_93 = arith.addf %get3A_87, %reduce_sum3A_92 : f32
    %swap3A_94 = arith.constant 4 : index
    %swap3A_95 = memref.load %arg3[%swap3A_94] : memref<12xf32, #tpu.memory_space<smem>>
    memref.store %add3A_93, %arg3[%swap3A_94] : memref<12xf32, #tpu.memory_space<smem>>
    %get3A_96 = arith.constant 10 : index
    %get3A_97 = memref.load %arg3[%get3A_96] : memref<12xf32, #tpu.memory_space<smem>>
    %reduce_sum3A_98 = vector.shape_cast %scan3A_8#9 : vector<8x128xf32> to vector<1x8x128xf32>
    %reduce_sum3A_99 = arith.constant dense<0.000000e+00> : vector<1xf32>
    %reduce_sum3A_100 = vector.multi_reduction <add>, %reduce_sum3A_98, %reduce_sum3A_99 [1, 2] : vector<1x8x128xf32> to vector<1xf32>
    %reduce_sum3A_101 = vector.shape_cast %reduce_sum3A_100 : vector<1xf32> to vector<1x1x1xf32>
    %reduce_sum3A_102 = vector.extract %reduce_sum3A_101[0, 0, 0] : f32 from vector<1x1x1xf32>
    %add3A_103 = arith.addf %get3A_97, %reduce_sum3A_102 : f32
    %swap3A_104 = arith.constant 10 : index
    %swap3A_105 = memref.load %arg3[%swap3A_104] : memref<12xf32, #tpu.memory_space<smem>>
    memref.store %add3A_103, %arg3[%swap3A_104] : memref<12xf32, #tpu.memory_space<smem>>
    %get3A_106 = arith.constant 5 : index
    %get3A_107 = memref.load %arg3[%get3A_106] : memref<12xf32, #tpu.memory_space<smem>>
    %reduce_sum3A_108 = vector.shape_cast %scan3A_8#10 : vector<8x128xf32> to vector<1x8x128xf32>
    %reduce_sum3A_109 = arith.constant dense<0.000000e+00> : vector<1xf32>
    %reduce_sum3A_110 = vector.multi_reduction <add>, %reduce_sum3A_108, %reduce_sum3A_109 [1, 2] : vector<1x8x128xf32> to vector<1xf32>
    %reduce_sum3A_111 = vector.shape_cast %reduce_sum3A_110 : vector<1xf32> to vector<1x1x1xf32>
    %reduce_sum3A_112 = vector.extract %reduce_sum3A_111[0, 0, 0] : f32 from vector<1x1x1xf32>
    %add3A_113 = arith.addf %get3A_107, %reduce_sum3A_112 : f32
    %swap3A_114 = arith.constant 5 : index
    %swap3A_115 = memref.load %arg3[%swap3A_114] : memref<12xf32, #tpu.memory_space<smem>>
    memref.store %add3A_113, %arg3[%swap3A_114] : memref<12xf32, #tpu.memory_space<smem>>
    %get3A_116 = arith.constant 11 : index
    %get3A_117 = memref.load %arg3[%get3A_116] : memref<12xf32, #tpu.memory_space<smem>>
    %add3A_118 = arith.constant 5.242880e+05 : f32
    %add3A_119 = arith.addf %get3A_117, %add3A_118 : f32
    %swap3A_120 = arith.constant 11 : index
    %swap3A_121 = memref.load %arg3[%swap3A_120] : memref<12xf32, #tpu.memory_space<smem>>
    memref.store %add3A_119, %arg3[%swap3A_120] : memref<12xf32, #tpu.memory_space<smem>>
    return
  }
  func.func @transform_0(%arg0: i32) -> (i32, i32) {
    %add3A = arith.constant 16 : i32
    %add3A_0 = arith.addi %add3A, %arg0 : i32
    %c0_i32 = arith.constant 0 : i32
    %c0_i32_1 = arith.constant 0 : i32
    return %add3A_0, %c0_i32 : i32, i32
  }
  func.func @transform_1(%arg0: i32) -> (i32, i32) {
    %add3A = arith.constant 16 : i32
    %add3A_0 = arith.addi %add3A, %arg0 : i32
    %c0_i32 = arith.constant 0 : i32
    %c0_i32_1 = arith.constant 0 : i32
    return %add3A_0, %c0_i32 : i32, i32
  }
  func.func @transform_2(%arg0: i32) -> i32 {
    %c0_i32 = arith.constant 0 : i32
    %c0_i32_0 = arith.constant 0 : i32
    return %c0_i32 : i32
  }
}

module attributes {stable_mosaic.version = 14 : i64} {
  func.func @_combine_body(%arg0: memref<32x2x128xf32, #tpu.memory_space<vmem>>, %arg1: memref<12xf32, #tpu.memory_space<smem>>, %arg2: memref<1x1xf32, #tpu.memory_space<smem>>) attributes {dimension_semantics = [], scalar_prefetch = 0 : i64, scratch_operands = 0 : i64, tpu.core_type = #tpu.core_type<tc>} {
    %get3A = arith.constant 0 : index
    %get3A_0 = arith.constant 0 : index
    %get3A_1 = arith.constant 0 : index
    %get3A_2 = vector.load %arg0[%get3A, %get3A_0, %get3A_1] : memref<32x2x128xf32, #tpu.memory_space<vmem>>, vector<32x2x128xf32>
    %get3A_3 = arith.constant 0 : index
    %get3A_4 = memref.load %arg1[%get3A_3] : memref<12xf32, #tpu.memory_space<smem>>
    %get3A_5 = arith.constant 6 : index
    %get3A_6 = memref.load %arg1[%get3A_5] : memref<12xf32, #tpu.memory_space<smem>>
    %slice3A = vector.extract_strided_slice %get3A_2 {offsets = [0, 0, 0], sizes = [32, 1, 16], strides = [1, 1, 1]} : vector<32x2x128xf32> to vector<32x1x16xf32>
    %squeeze3A = vector.shape_cast %slice3A : vector<32x1x16xf32> to vector<32x16xf32>
    %reduce_sum3A = vector.shape_cast %squeeze3A : vector<32x16xf32> to vector<1x32x16xf32>
    %reduce_sum3A_7 = arith.constant dense<0.000000e+00> : vector<1xf32>
    %reduce_sum3A_8 = vector.multi_reduction <add>, %reduce_sum3A, %reduce_sum3A_7 [1, 2] : vector<1x32x16xf32> to vector<1xf32>
    %reduce_sum3A_9 = vector.shape_cast %reduce_sum3A_8 : vector<1xf32> to vector<1x1x1xf32>
    %reduce_sum3A_10 = vector.extract %reduce_sum3A_9[0, 0, 0] : f32 from vector<1x1x1xf32>
    %sub3A = arith.constant 0.000000e+00 : f32
    %sub3A_11 = arith.subf %get3A_4, %sub3A : f32
    %add3A = arith.addf %reduce_sum3A_10, %sub3A_11 : f32
    %slice3A_12 = vector.extract_strided_slice %get3A_2 {offsets = [0, 1, 0], sizes = [32, 1, 16], strides = [1, 1, 1]} : vector<32x2x128xf32> to vector<32x1x16xf32>
    %squeeze3A_13 = vector.shape_cast %slice3A_12 : vector<32x1x16xf32> to vector<32x16xf32>
    %reduce_sum3A_14 = vector.shape_cast %squeeze3A_13 : vector<32x16xf32> to vector<1x32x16xf32>
    %reduce_sum3A_15 = arith.constant dense<0.000000e+00> : vector<1xf32>
    %reduce_sum3A_16 = vector.multi_reduction <add>, %reduce_sum3A_14, %reduce_sum3A_15 [1, 2] : vector<1x32x16xf32> to vector<1xf32>
    %reduce_sum3A_17 = vector.shape_cast %reduce_sum3A_16 : vector<1xf32> to vector<1x1x1xf32>
    %reduce_sum3A_18 = vector.extract %reduce_sum3A_17[0, 0, 0] : f32 from vector<1x1x1xf32>
    %sub3A_19 = arith.constant 0.000000e+00 : f32
    %sub3A_20 = arith.subf %get3A_6, %sub3A_19 : f32
    %add3A_21 = arith.addf %reduce_sum3A_18, %sub3A_20 : f32
    %gt3A = arith.constant 0.000000e+00 : f32
    %gt3A_22 = arith.cmpf ogt, %add3A_21, %gt3A : f32
    %max3A = arith.constant 1.000000e+00 : f32
    %max3A_23 = arith.maximumf %add3A_21, %max3A : f32
    %div3A = arith.divf %add3A, %max3A_23 : f32
    %jit3A = arith.constant 0.000000e+00 : f32
    %select_n3A = arith.select %gt3A_22, %div3A, %jit3A : f32
    %add3A_24 = arith.constant 0.000000e+00 : f32
    %add3A_25 = arith.addf %add3A_24, %select_n3A : f32
    %convert_element_type3A = arith.extui %gt3A_22 : i1 to i32
    %convert_element_type3A_26 = arith.sitofp %convert_element_type3A : i32 to f32
    %add3A_27 = arith.constant 0.000000e+00 : f32
    %add3A_28 = arith.addf %add3A_27, %convert_element_type3A_26 : f32
    %get3A_29 = arith.constant 1 : index
    %get3A_30 = memref.load %arg1[%get3A_29] : memref<12xf32, #tpu.memory_space<smem>>
    %get3A_31 = arith.constant 7 : index
    %get3A_32 = memref.load %arg1[%get3A_31] : memref<12xf32, #tpu.memory_space<smem>>
    %slice3A_33 = vector.extract_strided_slice %get3A_2 {offsets = [0, 0, 16], sizes = [32, 1, 16], strides = [1, 1, 1]} : vector<32x2x128xf32> to vector<32x1x16xf32>
    %squeeze3A_34 = vector.shape_cast %slice3A_33 : vector<32x1x16xf32> to vector<32x16xf32>
    %reduce_sum3A_35 = vector.shape_cast %squeeze3A_34 : vector<32x16xf32> to vector<1x32x16xf32>
    %reduce_sum3A_36 = arith.constant dense<0.000000e+00> : vector<1xf32>
    %reduce_sum3A_37 = vector.multi_reduction <add>, %reduce_sum3A_35, %reduce_sum3A_36 [1, 2] : vector<1x32x16xf32> to vector<1xf32>
    %reduce_sum3A_38 = vector.shape_cast %reduce_sum3A_37 : vector<1xf32> to vector<1x1x1xf32>
    %reduce_sum3A_39 = vector.extract %reduce_sum3A_38[0, 0, 0] : f32 from vector<1x1x1xf32>
    %sub3A_40 = arith.subf %get3A_30, %get3A_4 : f32
    %add3A_41 = arith.addf %reduce_sum3A_39, %sub3A_40 : f32
    %slice3A_42 = vector.extract_strided_slice %get3A_2 {offsets = [0, 1, 16], sizes = [32, 1, 16], strides = [1, 1, 1]} : vector<32x2x128xf32> to vector<32x1x16xf32>
    %squeeze3A_43 = vector.shape_cast %slice3A_42 : vector<32x1x16xf32> to vector<32x16xf32>
    %reduce_sum3A_44 = vector.shape_cast %squeeze3A_43 : vector<32x16xf32> to vector<1x32x16xf32>
    %reduce_sum3A_45 = arith.constant dense<0.000000e+00> : vector<1xf32>
    %reduce_sum3A_46 = vector.multi_reduction <add>, %reduce_sum3A_44, %reduce_sum3A_45 [1, 2] : vector<1x32x16xf32> to vector<1xf32>
    %reduce_sum3A_47 = vector.shape_cast %reduce_sum3A_46 : vector<1xf32> to vector<1x1x1xf32>
    %reduce_sum3A_48 = vector.extract %reduce_sum3A_47[0, 0, 0] : f32 from vector<1x1x1xf32>
    %sub3A_49 = arith.subf %get3A_32, %get3A_6 : f32
    %add3A_50 = arith.addf %reduce_sum3A_48, %sub3A_49 : f32
    %gt3A_51 = arith.constant 0.000000e+00 : f32
    %gt3A_52 = arith.cmpf ogt, %add3A_50, %gt3A_51 : f32
    %max3A_53 = arith.constant 1.000000e+00 : f32
    %max3A_54 = arith.maximumf %add3A_50, %max3A_53 : f32
    %div3A_55 = arith.divf %add3A_41, %max3A_54 : f32
    %jit3A_56 = arith.constant 0.000000e+00 : f32
    %select_n3A_57 = arith.select %gt3A_52, %div3A_55, %jit3A_56 : f32
    %add3A_58 = arith.addf %add3A_25, %select_n3A_57 : f32
    %convert_element_type3A_59 = arith.extui %gt3A_52 : i1 to i32
    %convert_element_type3A_60 = arith.sitofp %convert_element_type3A_59 : i32 to f32
    %add3A_61 = arith.addf %add3A_28, %convert_element_type3A_60 : f32
    %get3A_62 = arith.constant 2 : index
    %get3A_63 = memref.load %arg1[%get3A_62] : memref<12xf32, #tpu.memory_space<smem>>
    %get3A_64 = arith.constant 8 : index
    %get3A_65 = memref.load %arg1[%get3A_64] : memref<12xf32, #tpu.memory_space<smem>>
    %slice3A_66 = vector.extract_strided_slice %get3A_2 {offsets = [0, 0, 32], sizes = [32, 1, 16], strides = [1, 1, 1]} : vector<32x2x128xf32> to vector<32x1x16xf32>
    %squeeze3A_67 = vector.shape_cast %slice3A_66 : vector<32x1x16xf32> to vector<32x16xf32>
    %reduce_sum3A_68 = vector.shape_cast %squeeze3A_67 : vector<32x16xf32> to vector<1x32x16xf32>
    %reduce_sum3A_69 = arith.constant dense<0.000000e+00> : vector<1xf32>
    %reduce_sum3A_70 = vector.multi_reduction <add>, %reduce_sum3A_68, %reduce_sum3A_69 [1, 2] : vector<1x32x16xf32> to vector<1xf32>
    %reduce_sum3A_71 = vector.shape_cast %reduce_sum3A_70 : vector<1xf32> to vector<1x1x1xf32>
    %reduce_sum3A_72 = vector.extract %reduce_sum3A_71[0, 0, 0] : f32 from vector<1x1x1xf32>
    %sub3A_73 = arith.subf %get3A_63, %get3A_30 : f32
    %add3A_74 = arith.addf %reduce_sum3A_72, %sub3A_73 : f32
    %slice3A_75 = vector.extract_strided_slice %get3A_2 {offsets = [0, 1, 32], sizes = [32, 1, 16], strides = [1, 1, 1]} : vector<32x2x128xf32> to vector<32x1x16xf32>
    %squeeze3A_76 = vector.shape_cast %slice3A_75 : vector<32x1x16xf32> to vector<32x16xf32>
    %reduce_sum3A_77 = vector.shape_cast %squeeze3A_76 : vector<32x16xf32> to vector<1x32x16xf32>
    %reduce_sum3A_78 = arith.constant dense<0.000000e+00> : vector<1xf32>
    %reduce_sum3A_79 = vector.multi_reduction <add>, %reduce_sum3A_77, %reduce_sum3A_78 [1, 2] : vector<1x32x16xf32> to vector<1xf32>
    %reduce_sum3A_80 = vector.shape_cast %reduce_sum3A_79 : vector<1xf32> to vector<1x1x1xf32>
    %reduce_sum3A_81 = vector.extract %reduce_sum3A_80[0, 0, 0] : f32 from vector<1x1x1xf32>
    %sub3A_82 = arith.subf %get3A_65, %get3A_32 : f32
    %add3A_83 = arith.addf %reduce_sum3A_81, %sub3A_82 : f32
    %gt3A_84 = arith.constant 0.000000e+00 : f32
    %gt3A_85 = arith.cmpf ogt, %add3A_83, %gt3A_84 : f32
    %max3A_86 = arith.constant 1.000000e+00 : f32
    %max3A_87 = arith.maximumf %add3A_83, %max3A_86 : f32
    %div3A_88 = arith.divf %add3A_74, %max3A_87 : f32
    %jit3A_89 = arith.constant 0.000000e+00 : f32
    %select_n3A_90 = arith.select %gt3A_85, %div3A_88, %jit3A_89 : f32
    %add3A_91 = arith.addf %add3A_58, %select_n3A_90 : f32
    %convert_element_type3A_92 = arith.extui %gt3A_85 : i1 to i32
    %convert_element_type3A_93 = arith.sitofp %convert_element_type3A_92 : i32 to f32
    %add3A_94 = arith.addf %add3A_61, %convert_element_type3A_93 : f32
    %get3A_95 = arith.constant 3 : index
    %get3A_96 = memref.load %arg1[%get3A_95] : memref<12xf32, #tpu.memory_space<smem>>
    %get3A_97 = arith.constant 9 : index
    %get3A_98 = memref.load %arg1[%get3A_97] : memref<12xf32, #tpu.memory_space<smem>>
    %slice3A_99 = vector.extract_strided_slice %get3A_2 {offsets = [0, 0, 48], sizes = [32, 1, 16], strides = [1, 1, 1]} : vector<32x2x128xf32> to vector<32x1x16xf32>
    %squeeze3A_100 = vector.shape_cast %slice3A_99 : vector<32x1x16xf32> to vector<32x16xf32>
    %reduce_sum3A_101 = vector.shape_cast %squeeze3A_100 : vector<32x16xf32> to vector<1x32x16xf32>
    %reduce_sum3A_102 = arith.constant dense<0.000000e+00> : vector<1xf32>
    %reduce_sum3A_103 = vector.multi_reduction <add>, %reduce_sum3A_101, %reduce_sum3A_102 [1, 2] : vector<1x32x16xf32> to vector<1xf32>
    %reduce_sum3A_104 = vector.shape_cast %reduce_sum3A_103 : vector<1xf32> to vector<1x1x1xf32>
    %reduce_sum3A_105 = vector.extract %reduce_sum3A_104[0, 0, 0] : f32 from vector<1x1x1xf32>
    %sub3A_106 = arith.subf %get3A_96, %get3A_63 : f32
    %add3A_107 = arith.addf %reduce_sum3A_105, %sub3A_106 : f32
    %slice3A_108 = vector.extract_strided_slice %get3A_2 {offsets = [0, 1, 48], sizes = [32, 1, 16], strides = [1, 1, 1]} : vector<32x2x128xf32> to vector<32x1x16xf32>
    %squeeze3A_109 = vector.shape_cast %slice3A_108 : vector<32x1x16xf32> to vector<32x16xf32>
    %reduce_sum3A_110 = vector.shape_cast %squeeze3A_109 : vector<32x16xf32> to vector<1x32x16xf32>
    %reduce_sum3A_111 = arith.constant dense<0.000000e+00> : vector<1xf32>
    %reduce_sum3A_112 = vector.multi_reduction <add>, %reduce_sum3A_110, %reduce_sum3A_111 [1, 2] : vector<1x32x16xf32> to vector<1xf32>
    %reduce_sum3A_113 = vector.shape_cast %reduce_sum3A_112 : vector<1xf32> to vector<1x1x1xf32>
    %reduce_sum3A_114 = vector.extract %reduce_sum3A_113[0, 0, 0] : f32 from vector<1x1x1xf32>
    %sub3A_115 = arith.subf %get3A_98, %get3A_65 : f32
    %add3A_116 = arith.addf %reduce_sum3A_114, %sub3A_115 : f32
    %gt3A_117 = arith.constant 0.000000e+00 : f32
    %gt3A_118 = arith.cmpf ogt, %add3A_116, %gt3A_117 : f32
    %max3A_119 = arith.constant 1.000000e+00 : f32
    %max3A_120 = arith.maximumf %add3A_116, %max3A_119 : f32
    %div3A_121 = arith.divf %add3A_107, %max3A_120 : f32
    %jit3A_122 = arith.constant 0.000000e+00 : f32
    %select_n3A_123 = arith.select %gt3A_118, %div3A_121, %jit3A_122 : f32
    %add3A_124 = arith.addf %add3A_91, %select_n3A_123 : f32
    %convert_element_type3A_125 = arith.extui %gt3A_118 : i1 to i32
    %convert_element_type3A_126 = arith.sitofp %convert_element_type3A_125 : i32 to f32
    %add3A_127 = arith.addf %add3A_94, %convert_element_type3A_126 : f32
    %get3A_128 = arith.constant 4 : index
    %get3A_129 = memref.load %arg1[%get3A_128] : memref<12xf32, #tpu.memory_space<smem>>
    %get3A_130 = arith.constant 10 : index
    %get3A_131 = memref.load %arg1[%get3A_130] : memref<12xf32, #tpu.memory_space<smem>>
    %slice3A_132 = vector.extract_strided_slice %get3A_2 {offsets = [0, 0, 64], sizes = [32, 1, 16], strides = [1, 1, 1]} : vector<32x2x128xf32> to vector<32x1x16xf32>
    %squeeze3A_133 = vector.shape_cast %slice3A_132 : vector<32x1x16xf32> to vector<32x16xf32>
    %reduce_sum3A_134 = vector.shape_cast %squeeze3A_133 : vector<32x16xf32> to vector<1x32x16xf32>
    %reduce_sum3A_135 = arith.constant dense<0.000000e+00> : vector<1xf32>
    %reduce_sum3A_136 = vector.multi_reduction <add>, %reduce_sum3A_134, %reduce_sum3A_135 [1, 2] : vector<1x32x16xf32> to vector<1xf32>
    %reduce_sum3A_137 = vector.shape_cast %reduce_sum3A_136 : vector<1xf32> to vector<1x1x1xf32>
    %reduce_sum3A_138 = vector.extract %reduce_sum3A_137[0, 0, 0] : f32 from vector<1x1x1xf32>
    %sub3A_139 = arith.subf %get3A_129, %get3A_96 : f32
    %add3A_140 = arith.addf %reduce_sum3A_138, %sub3A_139 : f32
    %slice3A_141 = vector.extract_strided_slice %get3A_2 {offsets = [0, 1, 64], sizes = [32, 1, 16], strides = [1, 1, 1]} : vector<32x2x128xf32> to vector<32x1x16xf32>
    %squeeze3A_142 = vector.shape_cast %slice3A_141 : vector<32x1x16xf32> to vector<32x16xf32>
    %reduce_sum3A_143 = vector.shape_cast %squeeze3A_142 : vector<32x16xf32> to vector<1x32x16xf32>
    %reduce_sum3A_144 = arith.constant dense<0.000000e+00> : vector<1xf32>
    %reduce_sum3A_145 = vector.multi_reduction <add>, %reduce_sum3A_143, %reduce_sum3A_144 [1, 2] : vector<1x32x16xf32> to vector<1xf32>
    %reduce_sum3A_146 = vector.shape_cast %reduce_sum3A_145 : vector<1xf32> to vector<1x1x1xf32>
    %reduce_sum3A_147 = vector.extract %reduce_sum3A_146[0, 0, 0] : f32 from vector<1x1x1xf32>
    %sub3A_148 = arith.subf %get3A_131, %get3A_98 : f32
    %add3A_149 = arith.addf %reduce_sum3A_147, %sub3A_148 : f32
    %gt3A_150 = arith.constant 0.000000e+00 : f32
    %gt3A_151 = arith.cmpf ogt, %add3A_149, %gt3A_150 : f32
    %max3A_152 = arith.constant 1.000000e+00 : f32
    %max3A_153 = arith.maximumf %add3A_149, %max3A_152 : f32
    %div3A_154 = arith.divf %add3A_140, %max3A_153 : f32
    %jit3A_155 = arith.constant 0.000000e+00 : f32
    %select_n3A_156 = arith.select %gt3A_151, %div3A_154, %jit3A_155 : f32
    %add3A_157 = arith.addf %add3A_124, %select_n3A_156 : f32
    %convert_element_type3A_158 = arith.extui %gt3A_151 : i1 to i32
    %convert_element_type3A_159 = arith.sitofp %convert_element_type3A_158 : i32 to f32
    %add3A_160 = arith.addf %add3A_127, %convert_element_type3A_159 : f32
    %get3A_161 = arith.constant 5 : index
    %get3A_162 = memref.load %arg1[%get3A_161] : memref<12xf32, #tpu.memory_space<smem>>
    %get3A_163 = arith.constant 11 : index
    %get3A_164 = memref.load %arg1[%get3A_163] : memref<12xf32, #tpu.memory_space<smem>>
    %slice3A_165 = vector.extract_strided_slice %get3A_2 {offsets = [0, 0, 80], sizes = [32, 1, 16], strides = [1, 1, 1]} : vector<32x2x128xf32> to vector<32x1x16xf32>
    %squeeze3A_166 = vector.shape_cast %slice3A_165 : vector<32x1x16xf32> to vector<32x16xf32>
    %reduce_sum3A_167 = vector.shape_cast %squeeze3A_166 : vector<32x16xf32> to vector<1x32x16xf32>
    %reduce_sum3A_168 = arith.constant dense<0.000000e+00> : vector<1xf32>
    %reduce_sum3A_169 = vector.multi_reduction <add>, %reduce_sum3A_167, %reduce_sum3A_168 [1, 2] : vector<1x32x16xf32> to vector<1xf32>
    %reduce_sum3A_170 = vector.shape_cast %reduce_sum3A_169 : vector<1xf32> to vector<1x1x1xf32>
    %reduce_sum3A_171 = vector.extract %reduce_sum3A_170[0, 0, 0] : f32 from vector<1x1x1xf32>
    %sub3A_172 = arith.subf %get3A_162, %get3A_129 : f32
    %add3A_173 = arith.addf %reduce_sum3A_171, %sub3A_172 : f32
    %slice3A_174 = vector.extract_strided_slice %get3A_2 {offsets = [0, 1, 80], sizes = [32, 1, 16], strides = [1, 1, 1]} : vector<32x2x128xf32> to vector<32x1x16xf32>
    %squeeze3A_175 = vector.shape_cast %slice3A_174 : vector<32x1x16xf32> to vector<32x16xf32>
    %reduce_sum3A_176 = vector.shape_cast %squeeze3A_175 : vector<32x16xf32> to vector<1x32x16xf32>
    %reduce_sum3A_177 = arith.constant dense<0.000000e+00> : vector<1xf32>
    %reduce_sum3A_178 = vector.multi_reduction <add>, %reduce_sum3A_176, %reduce_sum3A_177 [1, 2] : vector<1x32x16xf32> to vector<1xf32>
    %reduce_sum3A_179 = vector.shape_cast %reduce_sum3A_178 : vector<1xf32> to vector<1x1x1xf32>
    %reduce_sum3A_180 = vector.extract %reduce_sum3A_179[0, 0, 0] : f32 from vector<1x1x1xf32>
    %sub3A_181 = arith.subf %get3A_164, %get3A_131 : f32
    %add3A_182 = arith.addf %reduce_sum3A_180, %sub3A_181 : f32
    %gt3A_183 = arith.constant 0.000000e+00 : f32
    %gt3A_184 = arith.cmpf ogt, %add3A_182, %gt3A_183 : f32
    %max3A_185 = arith.constant 1.000000e+00 : f32
    %max3A_186 = arith.maximumf %add3A_182, %max3A_185 : f32
    %div3A_187 = arith.divf %add3A_173, %max3A_186 : f32
    %jit3A_188 = arith.constant 0.000000e+00 : f32
    %select_n3A_189 = arith.select %gt3A_184, %div3A_187, %jit3A_188 : f32
    %add3A_190 = arith.addf %add3A_157, %select_n3A_189 : f32
    %convert_element_type3A_191 = arith.extui %gt3A_184 : i1 to i32
    %convert_element_type3A_192 = arith.sitofp %convert_element_type3A_191 : i32 to f32
    %add3A_193 = arith.addf %add3A_160, %convert_element_type3A_192 : f32
    %div3A_194 = arith.divf %add3A_190, %add3A_193 : f32
    %swap3A = arith.constant 0 : index
    %swap3A_195 = arith.constant 0 : index
    %swap3A_196 = memref.load %arg2[%swap3A, %swap3A_195] : memref<1x1xf32, #tpu.memory_space<smem>>
    memref.store %div3A_194, %arg2[%swap3A, %swap3A_195] : memref<1x1xf32, #tpu.memory_space<smem>>
    return
  }
}

</mosaic_0001>

<sc_bundles>
// kernel: kernel.5.cloned.1.call-start
scs
__scs_entry_jumppad:
0x0: {  	(pc) =	sbr.rel $0x88, $3  }
0x1: {  	(tag) =	ssettag $0x0;
	lr =	simm.s32 $0x1  }
0x2: {  	[smem:$0x3F9F] =	sst lr;
	_ =	strace $0xD0000000  }
0x3: {  	_ = 	snop  }
0x4: {  	_ = 	snop  }
0x5: {  	_ = 	snop  }
0x6: {  	_ = 	snop  }
0x7: {  	_ = 	snop  }
__scs_overlays_trampoline_lowered:
0x8: {  	[smem:$0x3FAE] =	sst s0  }
0x9: {  	[smem:$0x3FAF] =	sst s1  }
0xa: {  	[smem:$0x3FB0] =	sst s2  }
0xb: {  	[smem:$0x3FB1] =	sst s3  }
0xc: {  	[smem:$0x3FB2] =	sst s4  }
0xd: {  	[smem:$0x3FB3] =	sst s5  }
0xe: {  	[smem:$0x3FB4] =	sst s6  }
0xf: {  	[smem:$0x3FB5] =	sst s7  }
0x10: {  	[smem:$0x3FB6] =	sst s8  }
0x11: {  	[smem:$0x3FB7] =	sst s9;
	s0 =	simm.s32 @!p0 $0x0  }
0x12: {  	s1 =	sld [smem:$0x3F9D];
	s0 =	simm.s32 @p0 $0x1  }
0x13: {  	[smem:$0x3FB8] =	sst s0;
	s0 =	simm.s32 @!p1 $0x0  }
0x14: {  	s2 =	sld [smem:$0x3F9C];
	s0 =	simm.s32 @p1 $0x1  }
0x15: {  	[smem:$0x3FB9] =	sst s0;
	s0 =	simm.s32 @!p2 $0x0  }
0x16: {  	s3 =	sld [smem:$0x3FDB];
	s0 =	simm.s32 @p2 $0x1  }
0x17: {  	s4 =	simm.s32 $0x1BF5;
	[smem:$0x3FBB] =	sst s0  }
0x18: {  	s0 =	sld [smem:$0x3F9E];
	_ =	swait.ge [sflag:s4], $0x0  }
0x19: {  	s7 =	sld [smem:$0x3F9F]  }
0x1a: {  	s8 =	sadd.s32 $0xFFFFE003, lr  }
0x1b: {  	s9 =	sadd.s32 $0xFFFFFEF7, lr;
	s5 =	simm.s32 $0xFFFFFFFF;
	p2 =	slt.u32 s8, $0xFFFFF086  }
0x1c: {  	p1 =	slt.u32 s9, $0xF7A;
	s5 =	simm.s32 @!p2 $0x0  }
0x1d: {  	s5 =	simm.s32 @p1 $0x1;
	p0 =	seq.s32 s7, s2  }
0x1e: {  	s7 =	smul.u32 @!p0 $0xF7A, s2;
	p2 =	seq.s32 @!p0 s5, $0x0  }
0x1f: {  	s9 =	smul.u32 $0xF7A, s1;
	s8 =	simm.s32 @!p0 $0x1BF5;
	p2 =	por !p2, p0  }
0x20: {  	[sflag:s8] =	ssyncset.s32 @!p0 $0xFFFFF086;
	s6 =	sadd.s32 @!p0 s3, s7;
	s7 =	simm.s32 @!p0 $0x108  }
0x21: {  	s3 =	sadd.s32 s3, s9;
	s6 =	sadd.s32 @!p0 $0x88, s6;
	s7 =	simm.s32 @p2 $0x1082  }
0x22: {  	[simem:s7], [sflag:s8] =	dma.local @!p0 [hbm:s6], $0xF7A  }
0x23: {  	s9 =	sor.u32 $0xD0000000, s2;
	s6 =	simm.s32 $0x108;
	_ =	swait.ge @!p0 [sflag:s8], $0x0  }
0x24: {  	s3 =	sadd.s32 $0x88, s3;
	s6 =	simm.s32 @!p1 $0x1082;
	[sflag:s4] =	ssyncset.s32 $0xFFFFF086  }
0x25: {  	[simem:s6], [sflag:s4] =	dma.local [hbm:s3], $0xF7A  }
0x26: {  	[smem:$0x3F9F] =	sst s1;
	(tag) =	ssettag s2;
	_ =	strace s9  }
0x27: {  	s1 =	sld [smem:$0x3FAF]  }
0x28: {  	s2 =	sld [smem:$0x3FB0]  }
0x29: {  	s4 =	sld [smem:$0x3FB2]  }
0x2a: {  	p0 =	seq.s32 s5, $0x0;
	s5 =	sld [smem:$0x3FB3]  }
0x2b: {  	s6 =	sld [smem:$0x3FB4]  }
0x2c: {  	s7 =	sld [smem:$0x3FB5]  }
0x2d: {  	s3 =	simm.s32 $0x108;
	s8 =	sld [smem:$0x3FB6]  }
0x2e: {  	s3 =	simm.s32 @!p0 $0x1082;
	s9 =	sld [smem:$0x3FB7]  }
0x2f: {  	lr =	sadd.s32 s0, s3;
	s0 =	sld [smem:$0x3FAE]  }
0x30: {  	s3 =	sld [smem:$0x3FB1]  }
0x31: {  	[smem:$0x3FBA] =	sst s10  }
0x32: {  	s10 =	sld [smem:$0x3FB8];
	_ =	sdelay $0x3  }
0x33: {  	p0 =	seq.s32 s10, $0x1;
	s10 =	sld [smem:$0x3FBA];
	_ =	sdelay $0x3  }
0x34: {  	[smem:$0x3FBA] =	sst s10  }
0x35: {  	s10 =	sld [smem:$0x3FB9];
	_ =	sdelay $0x3  }
0x36: {  	p1 =	seq.s32 s10, $0x1;
	s10 =	sld [smem:$0x3FBA];
	_ =	sdelay $0x3  }
0x37: {  	[smem:$0x3FBA] =	sst s10  }
0x38: {  	s10 =	sld [smem:$0x3FBB]  }
0x39: {  	_ = 	snop;
	(pc) =	sbr.ind lr, $3  }
0x3a: {  	_ = 	snop  }
0x3b: {  	_ = 	snop  }
0x3c: {  	p2 =	seq.s32 s10, $0x1;
	s10 =	sld [smem:$0x3FBA]  }
0x3d: {  	_ =	shalt  }
0x3e: {  	_ =	shalt  }
0x3f: {  	_ =	shalt  }
0x40: {  	_ =	shalt  }
0x41: {  	_ =	shalt  }
0x42: {  	_ =	shalt  }
0x43: {  	_ =	shalt  }
0x44: {  	_ =	shalt  }
0x45: {  	_ =	shalt  }
0x46: {  	_ =	shalt  }
0x47: {  	_ =	shalt  }
0x48: {  	_ =	shalt  }
0x49: {  	_ =	shalt  }
0x4a: {  	_ =	shalt  }
0x4b: {  	_ =	shalt  }
0x4c: {  	_ =	shalt  }
0x4d: {  	_ =	shalt  }
0x4e: {  	_ =	shalt  }
0x4f: {  	_ =	shalt  }
0x50: {  	_ =	shalt  }
0x51: {  	_ =	shalt  }
0x52: {  	_ =	shalt  }
0x53: {  	_ =	shalt  }
0x54: {  	_ =	shalt  }
0x55: {  	_ =	shalt  }
0x56: {  	_ =	shalt  }
0x57: {  	_ =	shalt  }
0x58: {  	_ =	shalt  }
0x59: {  	_ =	shalt  }
0x5a: {  	_ =	shalt  }
0x5b: {  	_ =	shalt  }
0x5c: {  	_ =	shalt  }
0x5d: {  	_ =	shalt  }
0x5e: {  	_ =	shalt  }
0x5f: {  	_ =	shalt  }
0x60: {  	_ =	shalt  }
0x61: {  	_ =	shalt  }
0x62: {  	_ =	shalt  }
0x63: {  	_ =	shalt  }
0x64: {  	_ =	shalt  }
0x65: {  	_ =	shalt  }
0x66: {  	_ =	shalt  }
0x67: {  	_ =	shalt  }
0x68: {  	_ =	shalt  }
0x69: {  	_ =	shalt  }
0x6a: {  	_ =	shalt  }
0x6b: {  	_ =	shalt  }
0x6c: {  	_ =	shalt  }
0x6d: {  	_ =	shalt  }
0x6e: {  	_ =	shalt  }
0x6f: {  	_ =	shalt  }
0x70: {  	_ =	shalt  }
0x71: {  	_ =	shalt  }
0x72: {  	_ =	shalt  }
0x73: {  	_ =	shalt  }
0x74: {  	_ =	shalt  }
0x75: {  	_ =	shalt  }
0x76: {  	_ =	shalt  }
0x77: {  	_ =	shalt  }
0x78: {  	_ =	shalt  }
0x79: {  	_ =	shalt  }
0x7a: {  	_ =	shalt  }
0x7b: {  	_ =	shalt  }
0x7c: {  	_ =	shalt  }
0x7d: {  	_ =	shalt  }
0x7e: {  	_ =	shalt  }
0x7f: {  	_ =	shalt  }
0x80: {  	_ =	shalt  }
0x81: {  	_ =	shalt  }
0x82: {  	_ =	shalt  }
0x83: {  	_ =	shalt  }
0x84: {  	_ =	shalt  }
0x85: {  	_ =	shalt  }
0x86: {  	_ =	shalt  }
0x87: {  	_ =	shalt  }
.Lfunc_end0:
.L_simem_size_0:
called_computation_lowered:
.L_overlay_start_0:
0x88: {  	s2 =	sld [smem:$0x3FD9]  }
0x89: {  	s3 =	sld [smem:$0x3FFE];
	_ =	sdelay $0x1  }
0x8a: {  	s1 =	srdreg.scid  }
0x8b: {  	s0 =	sand.u32 $0x1, s1  }
0x8c: {  	s17 =	sshll.u32 s0, $0xA;
	s2 =	sadd.s32 s3, s2  }
0x8d: {  	s2 =	sadd.s32 s2, s17  }
0x8e: {  	[smem:$0x3FC6] =	sst s2  }
0x8f: {  	_ = 	snop  }
0x90: {  	s2 =	sld [smem:$0x3FC9]  }
0x91: {  	s18 =	sld [smem:$0x3FC8];
	(tm) =	ssettm $0x1  }
0x92: {  	s4 =	sld [smem:$0x3FFB];
	_ =	sdelay $0x3  }
0x93: {  	_ =	strace s4  }
0x94: {  	s4 =	sld [smem:$0x3FFC];
	_ =	sdelay $0x3  }
0x95: {  	_ =	strace s4  }
0x96: {  	s4 =	sld [smem:$0x3FFD];
	_ =	sdelay $0x3  }
0x97: {  	_ =	strace s4  }
0x98: {  	_ =	strace $0x8FFFFFFF  }
0x99: {  	s19 =	sld [smem:$0x3FDB];
	_ =	sdelay $0x1  }
0x9a: {  	s5 =	simm.s32 $_scs_section_size  }
0x9b: {  	s6 =	simm.s32 $_size__tile_overlayer_lowered;
	s7 =	simm.s32 $_tile_overlayer_lowered  }
0x9c: {  	s22 =	simm.s32 $0x1BFF;
	s21 =	sshll.u32 s7, $0x1;
	s4 =	sadd.s32 s5, s19  }
0x9d: {  	s8 =	simm.s32 $0x0;
	s20 =	sshll.u32 s6, $0x1;
	s6 =	sadd.s32 s21, s4  }
0x9e: {  	[timem:s8], [sflag:s22] =	dma.local [hbm:s6], s20  }
0x9f: {  	_ =	swait.ge [sflag:s22], s20  }
0xa0: {  	s5 =	ssub.s32 $0x0, s20;
	[sflag:s22] =	ssyncset.done $0x0  }
0xa1: {  	[sflag:s22] =	ssyncadd.s32 s5;
	_ =	sdelay $0x1  }
0xa2: {  	s23 =	simm.s32 $0x1B8B  }
0xa3: {  	_ =	swait.ge [sflag:s23], $0x1  }
0xa4: {  	[sflag:s23] =	ssyncset.done $0x0  }
0xa5: {  	s25 =	simm.s32 $0x1B8E;
	s24 =	sld [smem:$0x3FFE];
	[sflag:s23] =	ssyncadd.s32 $0xFFFFFFFF  }
0xa6: {  	s26 =	simm.s32 $execute0_lowered;
	[smem:$0x3FD2] =	sst s25  }
0xa7: {  	s6 =	sshll.u32 s26, $0x1;
	_ =	strace $0x80000046;
	[dreg:$0x1] =	wrdreg $0xFFFFFFFF  }
0xa8: {  	s28 =	simm.s32 $_size_execute0_lowered;
	s4 =	sadd.s32 s4, s6;
	[dreg:$0x0] =	wrdreg $0x0  }
0xa9: {  	s6 =	sshll.u32 s28, $0x1;
	[dreg:$0x2] =	wrdreg s4  }
0xaa: {  	[dreg:$0x3] =	wrdreg s6  }
0xab: {  	[dreg:$0x4] =	wrdreg $0xC0  }
0xac: {  	_ =	task [dreg:s8], $0x5FFFF  }
0xad: {  	[dreg:$0x1] =	wrdreg $0xFFFFFFFF  }
0xae: {  	[dreg:$0x0] =	wrdreg $0x60  }
0xaf: {  	[dreg:$0x2] =	wrdreg s2  }
0xb0: {  	[dreg:$0x3] =	wrdreg s18  }
0xb1: {  	[dreg:$0x4] =	wrdreg s24  }
0xb2: {  	[dreg:$0x5] =	wrdreg $0x9  }
0xb3: {  	_ =	task.clear_ibuf [dreg:s8], $0x6FFFF;
	_ =	strace $0x90000046  }
0xb4: {  	s29 =	simm.s32 $0x9;
	_ =	strace $0x80000048  }
0xb5: {  	_ =	swait.ge [sflag:s29], $0x1  }
0xb6: {  	[sflag:s29] =	ssyncadd.s32 $0xFFFFFFFF  }
0xb7: {  	_ =	strace $0x90000048  }
0xb8: {  	_ =	sfence  }
0xb9: {  	s30 =	sld [smem:$0x0];
	_ =	sdelay $0x2  }
0xba: {  	s31 =	sshll.u32 s1, $0xD;
	s1 =	sshrl.u32 s1, $0x2  }
0xbb: {  	s3 =	sand.u32 $0x4000, s31;
	s1 =	sadd.s32 s1, s30  }
0xbc: {  	s0 =	sor.u32 s3, s0;
	s1 =	sshll.u32 s1, $0x11  }
0xbd: {  	s0 =	sor.u32 s1, s0  }
0xbe: {  	s0 =	sadd.s32 $0x8F2B, s0  }
0xbf: {  	[sflag:s0] =	ssyncadd.remote.s32 $0x1  }
0xc0: {  	_ =	sfence.sel $0xFFFF  }
0xc1: {  	[dreg:$0x0] =	wrdreg $0xFFFFFFFF;
	(pc) =	sbr.abs _section_cstart, $3  }
0xc2: {  	[dreg:$0x1] =	wrdreg $0xFFFFFFFF  }
0xc3: {  	_ =	task.clear_ibuf [dreg:s8], $0x2FFFF;
	_ =	strace $0x9FFFFFFF  }
0xc4: {  	(tm) =	ssettm $0x7FFFFFFF  }
0xc5: {  	_ =	shalt  }
tec
execute0_lowered:
.L_overlay_start_1:
0x0: {  	(tag) =	ssettag $0x1  }
0x1: {  	s1 =	rddreg [dreg:$0x0]  }
0x2: {  	s3 =	rddreg [dreg:$0x1]  }
0x3: {  	s5 =	rddreg [dreg:$0x2]  }
0x4: {  	s0 =	rddreg [dreg:$0x3];
	s6 =	srdreg.scid  }
0x5: {  	s2 =	stileid.u32;
	s4 =	simm.s32 $0x0;
	s11 =	simm.s32 $0x8000  }
0x6: {  	s12 =	simm.s32 $0x10000;
	s13 =	simm.s32 $0x10100;
	s14 =	simm.s32 $0x3  }
0x7: {  	s15 =	simm.s32 $0x0;
	s6 =	sand.u32 $0x1, s6;
	s7 =	sshll.u32 s2, $0x1  }
0x8: {  	[smem:$0x7FF] =	sst s4;
	s7 =	sor.u32 s6, s7;
	s6 =	ssub.s32 $0x2, s6  }
0x9: {  	_ =	strace $0x80000047;
	s8 =	sshll.u32 s7, $0x5;
	s30 =	sshrl.u32 s6, $0x1  }
0xa: {  	s31 =	sshll.u32 s7, $0xF;
	s9 =	sadd.s32 s8, s5;
	s10 =	ssub.s32 s6, s30  }
0xb: {  	s5 =	sshll.u32 s7, $0x12;
	s6 =	sadd.s32 s1, s31;
	s7 =	sadd.s32 s3, s31  }
0xc: {  	v0 =	vimm.f32 $0.0e+00;
	v1 =	vimm.f32 $1.000000000e+00;
	v2 =	vlaneseq.u32;
	s8 =	sadd.s32 $0x600, s9;
	s9 =	sadd.s32 $0x610, s9;
	s10 =	smax.u32 s10, $0x1  }
.LBB2_1:
0xd: {  	[tilespmem:$0x10000] =	vst v0  }
0xe: {  	[tilespmem:$0x10100] =	vst v0  }
0xf: {  	[tilespmem:$0x10010] =	vst v0  }
0x10: {  	[tilespmem:$0x10110] =	vst v0  }
0x11: {  	[tilespmem:$0x10020] =	vst v0  }
0x12: {  	[tilespmem:$0x10120] =	vst v0  }
0x13: {  	[tilespmem:$0x10030] =	vst v0  }
0x14: {  	[tilespmem:$0x10130] =	vst v0  }
0x15: {  	[tilespmem:$0x10040] =	vst v0  }
0x16: {  	[tilespmem:$0x10140] =	vst v0  }
0x17: {  	[tilespmem:$0x10050] =	vst v0  }
0x18: {  	[tilespmem:$0x10150] =	vst v0  }
0x19: {  	[tilespmem:s4], [sflag:$0x1] =	stream.linear.gather [hbm4b:s6+s4], $0x4000, $0x38;
	[tilespmem:$0x10200] =	vst v63  }
0x1a: {  	p0 =	por $0x0, $0x0;
	s16 =	simm.s32 $0x0  }
0x1b: {  	[tilespmem:s11], [sflag:$0x1] =	stream.linear.gather [hbm4b:s7+s4], $0x4000, $0x38;
	[tilespmem:$0x10200] =	vst v63  }
.LBB2_3:
0x1c: {  	s18 =	sand.u32 $0x1, s16  }
0x1d: {  	s17 =	smov.u32 s16;
	s16 =	sadd.s32 $0x1, s16;
	p1 =	seq.s32 s18, $0x1  }
0x1e: {  	p2 =	seq.s32 s17, $0xF;
	s19 =	sshll.u32 @!p1 s16, $0xE  }
0x1f: {  	p2 =	por !p1, p2;
	s19 =	sadd.s32 @!p1 s5, s19  }
0x20: {  	s21 =	simm.s32 @!p1 $0x0;
	s17 =	sshll.u32 @!p2 s16, $0xE;
	s19 =	sshrl.u32 @!p1 s19, $0x3  }
0x21: {  	s22 =	simm.s32 @!p1 $0x4000;
	s17 =	sadd.s32 @!p2 s5, s17;
	s20 =	sadd.s32 @!p1 s1, s19  }
0x22: {  	[tilespmem:s22], [sflag:$0x2] =	stream.linear.gather @!p1 [hbm4b:s20+s21], $0x4000, $0x38;
	[tilespmem:$0x10200] =	vst v63  }
0x23: {  	s19 =	sadd.s32 @!p1 s3, s19;
	s17 =	sshrl.u32 @!p2 s17, $0x3;
	s20 =	simm.s32 @!p1 $0xC000  }
0x24: {  	[tilespmem:s20], [sflag:$0x2] =	stream.linear.gather @!p1 [hbm4b:s19+s21], $0x4000, $0x38;
	[tilespmem:$0x10200] =	vst v63  }
0x25: {  	s19 =	sadd.s32 @!p2 s1, s17;
	s20 =	simm.s32 @!p2 $0x0  }
0x26: {  	[tilespmem:s20], [sflag:$0x1] =	stream.linear.gather @!p2 [hbm4b:s19+s20], $0x4000, $0x38;
	[tilespmem:$0x10200] =	vst v63  }
0x27: {  	s17 =	sadd.s32 @!p2 s3, s17;
	s19 =	simm.s32 @!p2 $0x8000  }
0x28: {  	[tilespmem:s19], [sflag:$0x1] =	stream.linear.gather @!p2 [hbm4b:s17+s20], $0x4000, $0x38;
	[tilespmem:$0x10200] =	vst v63  }
0x29: {  	p2 =	sne.s32 s18, $0x0  }
0x2a: {  	s17 =	simm.s32 @!p2 $0x1  }
0x2b: {  	_ =	swait.ge @!p2 [sflag:s17], $0x4000  }
0x2c: {  	[sflag:s17] =	ssyncset.done @!p2 $0x0  }
0x2d: {  	[sflag:s17] =	ssyncadd.s32 @!p2 $0xFFFFC000  }
0x2e: {  	_ =	swait.ge @!p2 [sflag:s17], $0x4000  }
0x2f: {  	[sflag:s17] =	ssyncset.done @!p2 $0x0  }
0x30: {  	[sflag:s17] =	ssyncadd.s32 @!p2 $0xFFFFC000;
	s17 =	simm.s32 @p1 $0x2  }
0x31: {  	_ =	swait.ge @p1 [sflag:s17], $0x4000  }
0x32: {  	[sflag:s17] =	ssyncset.done @p1 $0x0  }
0x33: {  	s18 =	simm.s32 $0x1;
	[sflag:s17] =	ssyncadd.s32 @p1 $0xFFFFC000  }
0x34: {  	s18 =	simm.s32 @!p0 $0x0;
	_ =	swait.ge @p1 [sflag:s17], $0x4000  }
0x35: {  	s18 =	sshll.u32 s18, $0xE;
	[sflag:s17] =	ssyncset.done @p1 $0x0  }
0x36: {  	s31 =	sor.u32 $0x8040, s18;
	[sflag:s17] =	ssyncadd.s32 @p1 $0xFFFFC000  }
0x37: {  	v3 =	vld [tilespmem:s31+$0x30]  }
0x38: {  	v5 =	vld [tilespmem:s31+$0xFFFFFFC0]  }
0x39: {  	s17 =	sor.u32 $0x40, s18;
	v4 =	vld [tilespmem:s31+$0xFFFFFFD0]  }
0x3a: {  	v6 =	vld [tilespmem:s17+$0x30]  }
0x3b: {  	v7 =	vld [tilespmem:s31+$0xFFFFFFE0]  }
0x3c: {  	v8 =	vld [tilespmem:s31+$0xFFFFFFF0]  }
0x3d: {  	v11 =	vld [tilespmem:s31+$0x0]  }
0x3e: {  	v12 =	vld [tilespmem:s31+$0x10]  }
0x3f: {  	v14 =	vld [tilespmem:s31+$0x20]  }
0x40: {  	v16 =	vld [tilespmem:s17+$0xFFFFFFE0]  }
0x41: {  	v9 =	vadd.f32 $3.000000000e+00, v3;
	v10 =	vadd.f32 $3.000000000e+00, v5  }
0x42: {  	v13 =	vadd.f32 $3.000000000e+00, v4;
	v3 =	vsub.f32 v6, v3  }
0x43: {  	v15 =	vadd.f32 $3.000000000e+00, v7;
	v17 =	vadd.f32 $3.000000000e+00, v8  }
0x44: {  	v21 =	vld [tilespmem:s17+$0x0];
	v19 =	vadd.f32 $3.000000000e+00, v11;
	v22 =	vadd.f32 $3.000000000e+00, v12  }
0x45: {  	v25 =	vadd.f32 $3.000000000e+00, v14;
	v7 =	vsub.f32 v16, v7;
	v9 =	vmax.f32 v9, $0.0e+00  }
0x46: {  	v10 =	vmax.f32 v10, $0.0e+00;
	v13 =	vmax.f32 v13, $0.0e+00;
	v3 =	vand.u32 $0x7FFFFFFF, v3  }
0x47: {  	v15 =	vmax.f32 v15, $0.0e+00;
	v17 =	vmax.f32 v17, $0.0e+00;
	v19 =	vmax.f32 v19, $0.0e+00  }
0x48: {  	v16 =	vmax.f32 v22, $0.0e+00;
	v58 =	vand.u32 $0x7FFFFFFF, v7;
	v6 =	vmin.f32 v9, $5.500000000e+00;
	v9 =	vld [tilespmem:s17+$0xFFFFFFD0]  }
0x49: {  	v7 =	vsub.f32 v21, v11;
	v20 =	vmin.f32 v3, $1.000000000e+00;
	v15 =	vmin.f32 v15, $5.500000000e+00  }
0x4a: {  	v18 =	vld [tilespmem:s17+$0xFFFFFFF0];
	v17 =	vmin.f32 v17, $5.500000000e+00;
	v19 =	vmin.f32 v19, $5.500000000e+00;
	v23 =	vmul.f32 $5.000000000e-01, v20  }
0x4b: {  	v24 =	vld [tilespmem:s17+$0x10];
	v16 =	vmin.f32 v16, $5.500000000e+00;
	v6 =	vtrunc.f32 v6;
	v59 =	vand.u32 $0x7FFFFFFF, v7  }
0x4c: {  	v30 =	vtrunc.f32 v15;
	v6 =	vcvt.f32.s32 v6;
	v3 =	vsub.f32 v3, v23;
	v23 =	vld [tilespmem:s17+$0xFFFFFFC0]  }
0x4d: {  	v31 =	vtrunc.f32 v19;
	v63 =	vtrunc.f32 v16;
	v4 =	vsub.f32 v9, v4  }
0x4e: {  	v6 =	vshll.u32 v6, $0x4;
	v20 =	vmul.f32 v3, v20;
	v3 =	vmin.f32 v58, $1.000000000e+00  }
0x4f: {  	v26 =	vor.u32 v2, v6;
	v28 =	vmul.f32 $5.000000000e-01, v3;
	v22 =	vand.u32 $0x7FFFFFFF, v4  }
0x50: {  	v9 =	vld [tilespmem:s17+$0x20];
	v4 =	vsub.f32 v18, v8;
	v18 =	vmax.f32 v25, $0.0e+00;
	v8 =	vsub.f32 v24, v12  }
0x51: {  	v12 =	vmin.f32 v10, $5.500000000e+00;
	v6 =	vmin.f32 v22, $1.000000000e+00;
	v11 =	vsub.f32 v23, v5  }
0x52: {  	v5 =	vmin.f32 v59, $1.000000000e+00;
	v61 =	vtrunc.f32 v12;
	v15 =	vmin.f32 v18, $5.500000000e+00  }
0x53: {  	v18 =	vtrunc.f32 v17;
	v21 =	vand.u32 $0x7FFFFFFF, v4;
	v17 =	vtrunc.f32 v15  }
0x54: {  	v23 =	vand.u32 $0x7FFFFFFF, v8;
	v19 =	vcvt.f32.s32 v18;
	v18 =	vcvt.f32.s32 v63  }
0x55: {  	v4 =	vmin.f32 v21, $1.000000000e+00;
	v9 =	vsub.f32 v9, v14;
	v7 =	vmin.f32 v23, $1.000000000e+00  }
0x56: {  	v10 =	vand.u32 $0x7FFFFFFF, v11;
	v14 =	vmin.f32 v13, $5.500000000e+00;
	v13 =	vmul.f32 $5.000000000e-01, v6  }
0x57: {  	v29 =	vmul.f32 $5.000000000e-01, v4;
	v60 =	vmul.f32 $5.000000000e-01, v7;
	v27 =	vand.u32 $0x7FFFFFFF, v9  }
0x58: {  	v9 =	vmin.f32 v10, $1.000000000e+00;
	v13 =	vsub.f32 v22, v13;
	v22 =	vmul.f32 $5.000000000e-01, v5  }
0x59: {  	v8 =	vmin.f32 v27, $1.000000000e+00;
	v11 =	vmul.f32 $5.000000000e-01, v9;
	v12 =	vsub.f32 v21, v29  }
0x5a: {  	v21 =	vtrunc.f32 v14;
	v15 =	vsub.f32 v23, v60;
	v23 =	vcvt.f32.s32 v30  }
0x5b: {  	v62 =	vmul.f32 $5.000000000e-01, v8;
	v14 =	vsub.f32 v59, v22;
	v22 =	vcvt.f32.s32 v61  }
0x5c: {  	[tilespmem:v26+s12+$0x0] =	vst.idx.add.f32.msk $0xffff, v20;
	v21 =	vcvt.f32.s32 v21;
	v10 =	vsub.f32 v10, v11;
	v11 =	vsub.f32 v58, v28  }
0x5d: {  	s19 =	sadd.s32 $0x80, s31;
	s18 =	simm.s32 $0x0;
	[tilespmem:v26+s13+$0x0] =	vst.idx.add.f32.msk $0xffff, v1;
	v16 =	vsub.f32 v27, v62;
	v20 =	vshll.u32 v22, $0x4;
	v22 =	vcvt.f32.s32 v31  }
.LBB2_4:
0x5e: {  	v24 =	vld [tilespmem:s19+$0x30];
	v21 =	vshll.u32 v21, $0x4;
	v23 =	vshll.u32 v23, $0x4;
	v17 =	vcvt.f32.s32 v17  }
0x5f: {  	s18 =	sadd.s32 $0x8, s18;
	v19 =	vshll.u32 v19, $0x4;
	v25 =	vld [tilespmem:s19+$0xFFFFFFC0];
	v22 =	vshll.u32 v22, $0x4;
	v18 =	vshll.u32 v18, $0x4  }
0x60: {  	v9 =	vmul.f32 v10, v9;
	v10 =	vmul.f32 v13, v6;
	s17 =	sadd.s32 $0x80, s17;
	p1 =	slt.u32 s18, $0x3F8;
	v26 =	vld [tilespmem:s19+$0xFFFFFFD0];
	v13 =	vshll.u32 v17, $0x4  }
0x61: {  	v11 =	vmul.f32 v11, v3;
	v12 =	vmul.f32 v12, v4;
	v17 =	vor.u32 v2, v20;
	v6 =	vld [tilespmem:s17+$0x30]  }
0x62: {  	v14 =	vmul.f32 v14, v5;
	v15 =	vmul.f32 v15, v7;
	v20 =	vor.u32 v2, v21;
	v3 =	vld [tilespmem:s19+$0xFFFFFFE0]  }
0x63: {  	v16 =	vmul.f32 v16, v8;
	v21 =	vor.u32 v2, v23;
	v4 =	vld [tilespmem:s19+$0xFFFFFFF0];
	v5 =	vadd.f32 $3.000000000e+00, v24  }
0x64: {  	v19 =	vor.u32 v2, v19;
	v22 =	vor.u32 v2, v22;
	v7 =	vadd.f32 $3.000000000e+00, v25;
	v8 =	vld [tilespmem:s19+$0x0]  }
0x65: {  	v18 =	vor.u32 v2, v18;
	v23 =	vadd.f32 $3.000000000e+00, v26;
	v27 =	vld [tilespmem:s19+$0x10];
	v5 =	vmax.f32 v5, $0.0e+00  }
0x66: {  	v7 =	vmax.f32 v7, $0.0e+00;
	v28 =	vld [tilespmem:s19+$0x20];
	v6 =	vsub.f32 v6, v24;
	v5 =	vmin.f32 v5, $5.500000000e+00  }
0x67: {  	v24 =	vld [tilespmem:s17+$0xFFFFFFD0];
	v23 =	vmax.f32 v23, $0.0e+00;
	v29 =	vadd.f32 $3.000000000e+00, v3;
	v5 =	vtrunc.f32 v5  }
0x68: {  	v30 =	vld [tilespmem:s17+$0xFFFFFFE0];
	v31 =	vadd.f32 $3.000000000e+00, v4;
	v6 =	vand.u32 $0x7FFFFFFF, v6;
	v5 =	vcvt.f32.s32 v5  }
0x69: {  	v29 =	vmax.f32 v29, $0.0e+00;
	v32 =	vld [tilespmem:s17+$0xFFFFFFF0];
	v33 =	vadd.f32 $3.000000000e+00, v8;
	v34 =	vmin.f32 v6, $1.000000000e+00  }
0x6a: {  	v35 =	vld [tilespmem:s17+$0x0];
	v36 =	vadd.f32 $3.000000000e+00, v27;
	v37 =	vmul.f32 $5.000000000e-01, v34;
	v5 =	vshll.u32 v5, $0x4  }
0x6b: {  	v31 =	vmax.f32 v31, $0.0e+00;
	v38 =	vld [tilespmem:s17+$0x10];
	v39 =	vadd.f32 $3.000000000e+00, v28;
	v5 =	vor.u32 v2, v5  }
0x6c: {  	v24 =	vsub.f32 v24, v26;
	v26 =	vmax.f32 v33, $0.0e+00;
	v33 =	vld [tilespmem:s17+$0x20];
	v6 =	vsub.f32 v6, v37  }
0x6d: {  	v37 =	vld [tilespmem:s17+$0xFFFFFFC0];
	v3 =	vsub.f32 v30, v3;
	v30 =	vmax.f32 v36, $0.0e+00;
	v36 =	vmax.f32 v39, $0.0e+00  }
0x6e: {  	v24 =	vand.u32 $0x7FFFFFFF, v24;
	v4 =	vsub.f32 v32, v4;
	v32 =	vmul.f32 v6, v34;
	[tilespmem:v17+s12+$0x0] =	vst.idx.add.f32.msk $0xffff, v9  }
0x6f: {  	v6 =	vmin.f32 v24, $1.000000000e+00;
	v34 =	vand.u32 $0x7FFFFFFF, v3;
	v8 =	vsub.f32 v35, v8;
	[tilespmem:v17+s13+$0x0] =	vst.idx.add.f32.msk $0xffff, v1  }
0x70: {  	v3 =	vmin.f32 v34, $1.000000000e+00;
	v17 =	vand.u32 $0x7FFFFFFF, v4;
	v9 =	vsub.f32 v38, v27;
	[tilespmem:v5+s12+$0x0] =	vst.idx.add.f32.msk $0xffff, v32  }
0x71: {  	v4 =	vmin.f32 v17, $1.000000000e+00;
	v27 =	vand.u32 $0x7FFFFFFF, v8;
	v8 =	vsub.f32 v33, v28;
	[tilespmem:v5+s13+$0x0] =	vst.idx.add.f32.msk $0xffff, v1  }
0x72: {  	v25 =	vsub.f32 v37, v25;
	v5 =	vmin.f32 v27, $1.000000000e+00;
	v28 =	vand.u32 $0x7FFFFFFF, v9;
	[tilespmem:v20+s12+$0x0] =	vst.idx.add.f32.msk $0xffff, v10  }
0x73: {  	v32 =	vmin.f32 v7, $5.500000000e+00;
	v7 =	vmin.f32 v28, $1.000000000e+00;
	v33 =	vand.u32 $0x7FFFFFFF, v8;
	[tilespmem:v20+s13+$0x0] =	vst.idx.add.f32.msk $0xffff, v1  }
0x74: {  	v20 =	vmin.f32 v23, $5.500000000e+00;
	v10 =	vand.u32 $0x7FFFFFFF, v25;
	v8 =	vmin.f32 v33, $1.000000000e+00;
	[tilespmem:v21+s12+$0x0] =	vst.idx.add.f32.msk $0xffff, v11  }
0x75: {  	v23 =	vmin.f32 v29, $5.500000000e+00;
	v25 =	vmin.f32 v31, $5.500000000e+00;
	v9 =	vmin.f32 v10, $1.000000000e+00;
	[tilespmem:v21+s13+$0x0] =	vst.idx.add.f32.msk $0xffff, v1  }
0x76: {  	v29 =	vmin.f32 v36, $5.500000000e+00;
	v21 =	vmin.f32 v26, $5.500000000e+00;
	v26 =	vmin.f32 v30, $5.500000000e+00;
	[tilespmem:v19+s12+$0x0] =	vst.idx.add.f32.msk $0xffff, v12  }
0x77: {  	v11 =	vmul.f32 $5.000000000e-01, v9;
	v12 =	vmul.f32 $5.000000000e-01, v6;
	[tilespmem:v19+s13+$0x0] =	vst.idx.add.f32.msk $0xffff, v1;
	v19 =	vor.u32 v2, v13  }
0x78: {  	v31 =	vmul.f32 $5.000000000e-01, v4;
	v30 =	vmul.f32 $5.000000000e-01, v3;
	[tilespmem:v22+s12+$0x0] =	vst.idx.add.f32.msk $0xffff, v14  }
0x79: {  	v35 =	vmul.f32 $5.000000000e-01, v7;
	v10 =	vsub.f32 v10, v11;
	v14 =	vmul.f32 $5.000000000e-01, v5;
	[tilespmem:v22+s13+$0x0] =	vst.idx.add.f32.msk $0xffff, v1  }
0x7a: {  	v13 =	vsub.f32 v24, v12;
	v24 =	vmul.f32 $5.000000000e-01, v8;
	v22 =	vtrunc.f32 v32;
	[tilespmem:v18+s12+$0x0] =	vst.idx.add.f32.msk $0xffff, v15  }
0x7b: {  	v11 =	vsub.f32 v34, v30;
	v15 =	vtrunc.f32 v20;
	v20 =	vtrunc.f32 v23;
	[tilespmem:v18+s13+$0x0] =	vst.idx.add.f32.msk $0xffff, v1  }
.Ltmp0:
0x7c: {  	v12 =	vsub.f32 v17, v31;
	v18 =	vtrunc.f32 v25;
	v25 =	vtrunc.f32 v21;
	[tilespmem:v19+s12+$0x0] =	vst.idx.add.f32.msk $0xffff, v16;
	(pc) =	sbr.rel @p1 .LBB2_4-.Ltmp0, $4  }
0x7d: {  	v26 =	vtrunc.f32 v26;
	v17 =	vtrunc.f32 v29;
	v14 =	vsub.f32 v27, v14;
	[tilespmem:v19+s13+$0x0] =	vst.idx.add.f32.msk $0xffff, v1  }
0x7e: {  	v22 =	vcvt.f32.s32 v22;
	v21 =	vcvt.f32.s32 v15;
	v15 =	vsub.f32 v28, v35  }
0x7f: {  	v23 =	vcvt.f32.s32 v20;
	v16 =	vsub.f32 v33, v24;
	v19 =	vcvt.f32.s32 v18  }
0x80: {  	s19 =	sadd.s32 $0x80, s19;
	v20 =	vshll.u32 v22, $0x4;
	v22 =	vcvt.f32.s32 v25;
	v18 =	vcvt.f32.s32 v26  }
0x81: {  	v20 =	vor.u32 v2, v20  }
0x82: {  	v21 =	vshll.u32 v21, $0x4  }
0x83: {  	v23 =	vshll.u32 v23, $0x4;
	v21 =	vor.u32 v2, v21  }
0x84: {  	v9 =	vmul.f32 v10, v9;
	v19 =	vshll.u32 v19, $0x4;
	v55 =	vor.u32 v2, v23  }
0x85: {  	v56 =	vor.u32 v2, v19  }
0x86: {  	v6 =	vmul.f32 v13, v6;
	[tilespmem:v20+s12+$0x0] =	vst.idx.add.f32.msk $0xffff, v9  }
0x87: {  	v3 =	vmul.f32 v11, v3;
	[tilespmem:v20+s13+$0x0] =	vst.idx.add.f32.msk $0xffff, v1  }
0x88: {  	v59 =	vcvt.f32.s32 v17;
	v4 =	vmul.f32 v12, v4;
	v57 =	vshll.u32 v22, $0x4;
	[tilespmem:v21+s12+$0x0] =	vst.idx.add.f32.msk $0xffff, v6  }
0x89: {  	v58 =	vor.u32 v2, v57;
	[tilespmem:v55+s12+$0x0] =	vst.idx.add.f32.msk $0xffff, v3  }
0x8a: {  	v61 =	vshll.u32 v59, $0x4;
	[tilespmem:v56+s12+$0x0] =	vst.idx.add.f32.msk $0xffff, v4  }
0x8b: {  	v62 =	vor.u32 v2, v61;
	[tilespmem:v21+s13+$0x0] =	vst.idx.add.f32.msk $0xffff, v1  }
0x8c: {  	v5 =	vmul.f32 v14, v5;
	v60 =	vshll.u32 v18, $0x4;
	[tilespmem:v55+s13+$0x0] =	vst.idx.add.f32.msk $0xffff, v1  }
0x8d: {  	v3 =	vor.u32 v2, v60;
	[tilespmem:v56+s13+$0x0] =	vst.idx.add.f32.msk $0xffff, v1  }
0x8e: {  	v63 =	vmul.f32 v16, v8;
	[tilespmem:v58+s12+$0x0] =	vst.idx.add.f32.msk $0xffff, v5  }
0x8f: {  	[tilespmem:v58+s13+$0x0] =	vst.idx.add.f32.msk $0xffff, v1  }
0x90: {  	v7 =	vmul.f32 v15, v7;
	[tilespmem:v62+s12+$0x0] =	vst.idx.add.f32.msk $0xffff, v63  }
0x91: {  	[tilespmem:v62+s13+$0x0] =	vst.idx.add.f32.msk $0xffff, v1  }
0x92: {  	[tilespmem:v3+s12+$0x0] =	vst.idx.add.f32.msk $0xffff, v7  }
0x93: {  	[tilespmem:v3+s13+$0x0] =	vst.idx.add.f32.msk $0xffff, v1  }
0x94: {  	p1 =	seq.s32 s16, $0x10  }
.Ltmp1:
0x95: {  	_ = 	snop;
	(pc) =	sbr.rel @!p1 .LBB2_3-.Ltmp1, $2  }
0x96: {  	_ =	sdelay $0x2  }
0x97: {  	p0 =	por !p0, !p0  }
0x98: {  	[hbm4b:s8+s4] =	stream.linear.scatter [tilespmem:s12], [sflag:$0x3], $0x60, $0x38;
	[tilespmem:$0x10200] =	vst v63  }
0x99: {  	s15 =	sadd.s32 $0x1, s15;
	_ =	swait.ge [sflag:s14], $0x60  }
0x9a: {  	p0 =	sne.s32 s15, s10;
	[sflag:s14] =	ssyncset.done $0x0  }
.Ltmp2:
0x9b: {  	[sflag:s14] =	ssyncadd.s32 $0xFFFFFFA0;
	(pc) =	sbr.rel @p0 .LBB2_1-.Ltmp2, $4  }
0x9c: {  	[hbm4b:s9+s4] =	stream.linear.scatter [tilespmem:s13], [sflag:$0x3], $0x60, $0x38;
	[tilespmem:$0x10200] =	vst v63  }
0x9d: {  	_ =	swait.ge [sflag:s14], $0x60  }
0x9e: {  	[sflag:s14] =	ssyncset.done $0x0  }
0x9f: {  	[sflag:s14] =	ssyncadd.s32 $0xFFFFFFA0  }
0xa0: {  	_ =	sfence.sel $0x180000  }
0xa1: {  	[bflag:$0x0] =	sbarrier.arrive $0xFFFF  }
0xa2: {  	p0 =	sne.s32 s2, $0x0;
	_ =	strace $0x90000047  }
0xa3: {  	s0 =	sadd.s32 @!p0 $0x100000, s0;
	[bflag:$0x2] =	sbarrier.arrive $0xFFFF  }
0xa4: {  	[sflag:s0] =	ssyncadd.tile.s32 @!p0 $0x1;
	_ =	shalt  }
.Lfunc_end2:
_tile_overlayer_lowered:
.L_overlay_start_2:
0xa5: {  	(tag) =	ssettag $0x2  }
0xa6: {  	s0 =	rddreg [dreg:$0x0];
	s2 =	stileid.u32  }
0xa7: {  	s1 =	rddreg [dreg:$0x1];
	p0 =	sne.s32 s2, $0x0  }
0xa8: {  	s3 =	rddreg [dreg:$0x2];
	[bflag:$0x3] =	sbarrier.arrive $0xFFFF;
	s2 =	simm.s32 @!p0 $0x1C03  }
0xa9: {  	[timem:s3], [sflag:s2] =	dma.local @!p0 [hbm:s0], s1  }
0xaa: {  	s0 =	simm.s32 @!p0 $0x3  }
0xab: {  	_ =	swait.ge @!p0 [sflag:s0], s1  }
0xac: {  	s1 =	ssub.s32 @!p0 $0x0, s1;
	[sflag:s0] =	ssyncset.done @!p0 $0x0  }
0xad: {  	[sflag:s0] =	ssyncadd.s32 @!p0 s1  }
0xae: {  	[bflag:$0x3] =	sbarrier.arrive $0xFFFF  }
0xaf: {  	_ =	shalt  }

</sc_bundles>
